<compile_context>
chip_gen: v7x
topology: tpu7x:2x2x1
jax: 0.10.2.dev20260603
libtpu: 0.0.44.dev20260713+nightly
codegen_flags: <defaults>
</compile_context>

<pallas_src>
import functools

import jax
import jax.numpy as jnp
from jax import lax
from jax.experimental import pallas as pl
from jax.experimental.pallas import tpu as pltpu
from jax.experimental.pallas import tpu_sc as plsc

_TEMPERATURE = 0.5
_EPS = 1e-12
_LOG2E = 1.4426950408889634
_LN2 = 0.6931471805599453

_TB = 4096
_TK = 8192
_TN = 1024


def _sc_gather(table, idx):
    n_rows, d = idx.shape[0], table.shape[1]
    info = plsc.get_sparse_core_info()
    nw = info.num_cores * info.num_subcores
    b_per_w = n_rows // nw
    ch = 128
    nch = b_per_w // ch
    mesh = plsc.VectorSubcoreMesh(core_axis_name="c", subcore_axis_name="s")

    nbuf = 3

    @functools.partial(
        pl.kernel,
        mesh=mesh,
        out_type=jax.ShapeDtypeStruct((n_rows, d), table.dtype),
        scratch_types=[
            pltpu.VMEM((nch, ch), jnp.int32),
            pltpu.VMEM((ch, d), table.dtype),
            pltpu.VMEM((ch, d), table.dtype),
            pltpu.VMEM((ch, d), table.dtype),
            pltpu.SemaphoreType.DMA,
            pltpu.SemaphoreType.DMA,
            pltpu.SemaphoreType.DMA,
            pltpu.SemaphoreType.DMA,
            pltpu.SemaphoreType.DMA,
            pltpu.SemaphoreType.DMA,
        ],
    )
    def gather_kernel(table_hbm, idx_hbm, out_hbm, idx_v,
                      rows0, rows1, rows2, gs0, gs1, gs2, ws0, ws1, ws2):
        wid = lax.axis_index("s") * info.num_cores + lax.axis_index("c")
        base = wid * b_per_w
        for j in range(nch):
            pltpu.sync_copy(idx_hbm.at[pl.ds(base + j * ch, ch)], idx_v.at[j])
        bufs = (rows0, rows1, rows2)
        gsems = (gs0, gs1, gs2)
        wsems = (ws0, ws1, ws2)

        def gather(j):
            return pltpu.async_copy(
                table_hbm.at[idx_v.at[j]], bufs[j % nbuf], gsems[j % nbuf]
            )

        gcp = [None] * nch
        wcp = [None] * nch
        for j in range(min(nbuf, nch)):
            gcp[j] = gather(j)
        for j in range(nch):
            gcp[j].wait()
            wcp[j] = pltpu.async_copy(
                bufs[j % nbuf], out_hbm.at[pl.ds(base + j * ch, ch)], wsems[j % nbuf]
            )
            nxt = j + nbuf
            if nxt < nch:
                wcp[j].wait()
                gcp[nxt] = gather(nxt)
        for j in range(max(0, nch - nbuf), nch):
            if wcp[j] is not None:
                wcp[j].wait()

    return gather_kernel(table, idx)


def _norm_body(p_ref, o_ref):
    x = p_ref[...]
    n = jnp.sum(x * x, axis=1, keepdims=True)
    o_ref[...] = (x / jnp.maximum(jnp.sqrt(n), _EPS)).astype(jnp.bfloat16)


def _normalize_bf16(p):
    k, d = p.shape
    return pl.pallas_call(
        _norm_body,
        grid=(k // _TN,),
        in_specs=[pl.BlockSpec((_TN, d), lambda i: (i, 0))],
        out_specs=pl.BlockSpec((_TN, d), lambda i: (i, 0)),
        out_shape=jax.ShapeDtypeStruct((k, d), jnp.bfloat16),
    )(p)


def _fused_body(emb_ref, pg_ref, pnb_ref, out_ref, enb_s, pos_s, acc_s):
    i = pl.program_id(0)
    kk = pl.program_id(1)
    nk = pl.num_programs(1)

    @pl.when(kk == 0)
    def _prep():
        e = emb_ref[...]
        en = jnp.sum(e * e, axis=1, keepdims=True)
        es = e * ((_LOG2E / _TEMPERATURE) / jnp.maximum(jnp.sqrt(en), _EPS))
        enb_s[...] = es.astype(jnp.bfloat16)
        g = pg_ref[...]
        gn = jnp.sum(g * g, axis=1, keepdims=True)
        gs = g / jnp.maximum(jnp.sqrt(gn), _EPS)
        pos_s[...] = jnp.sum(es * gs, axis=1, keepdims=True)
        acc_s[...] = jnp.zeros_like(acc_s)

    a = enb_s[...]
    p0 = None
    p1 = None
    for j in range(_TK // 256):
        sj = lax.dot_general(
            a, pnb_ref[pl.ds(j * 256, 256), :],
            (((1,), (1,)), ((), ())),
            preferred_element_type=jnp.float32,
        )
        e0 = jnp.exp2(sj[:, 0:128])
        e1 = jnp.exp2(sj[:, 128:256])
        p0 = e0 if p0 is None else p0 + e0
        p1 = e1 if p1 is None else p1 + e1
    acc_s[...] += p0 + p1

    @pl.when(kk == nk - 1)
    def _fin():
        row = jnp.sum(acc_s[...], axis=1, keepdims=True)
        pos2 = pos_s[...]
        tile_loss = jnp.sum(
            jnp.log(row - jnp.exp2(pos2)) - pos2 * _LN2, axis=0, keepdims=True
        )

        @pl.when(i == 0)
        def _init():
            out_ref[...] = tile_loss

        @pl.when(i > 0)
        def _acc():
            out_ref[...] += tile_loss


def _fused_loss(emb, pg, pnb):
    b, d = emb.shape
    k = pnb.shape[0]
    total = pl.pallas_call(
        _fused_body,
        grid=(b // _TB, k // _TK),
        in_specs=[
            pl.BlockSpec((_TB, d), lambda i, kk: (i, 0)),
            pl.BlockSpec((_TB, d), lambda i, kk: (i, 0)),
            pl.BlockSpec((_TK, d), lambda i, kk: (kk, 0)),
        ],
        out_specs=pl.BlockSpec((1, 1), lambda i, kk: (0, 0)),
        out_shape=jax.ShapeDtypeStruct((1, 1), jnp.float32),
        scratch_shapes=[
            pltpu.VMEM((_TB, d), jnp.bfloat16),
            pltpu.VMEM((_TB, 1), jnp.float32),
            pltpu.VMEM((_TB, 128), jnp.float32),
        ],
        compiler_params=pltpu.CompilerParams(
            dimension_semantics=("arbitrary", "arbitrary"),
        ),
    )(emb, pg, pnb)
    return total[0, 0] / b


def kernel(embeddings, cluster_ids, prototypes):
    pg = _sc_gather(prototypes, cluster_ids.astype(jnp.int32))
    pnb = _normalize_bf16(prototypes)
    return _fused_loss(embeddings, pg, pnb)

# --- scband reference (transcript-rebuilt; emitter-appended) ---
"""Pipeline reference for scband-prototype-consistent-learning-7937099563445 (READ-ONLY COPY).

The authoritative reference and input builder live on the scoring server;
editing this copy changes nothing except your own understanding.
"""

import jax, jax.numpy as jnp
import numpy as np

B = 16384
D = 256
K = 8192
TEMPERATURE = 0.5
EPS = 1e-12

def setup_inputs(seed: int = 0) -> dict:
    key = jax.random.key(seed)
    k1, k2, k3 = jax.random.split(key, 3)
    embeddings = jax.random.normal(k1, (B, D), dtype=jnp.float32)
    cluster_ids = jax.random.randint(k2, (B,), 0, K, dtype=jnp.int64 if jax.config.jax_enable_x64 else jnp.int32)
    prototypes = jax.random.normal(k3, (K, D), dtype=jnp.float32)
    return {"embeddings": embeddings, "cluster_ids": cluster_ids, "prototypes": prototypes}

def _l2_normalize(x, axis):
    norm = jnp.sqrt(jnp.sum(x * x, axis=axis, keepdims=True))
    return x / jnp.maximum(norm, EPS)

def reference(embeddings, cluster_ids, prototypes):
    # Faithful translation of PrototypeConsistentLearning.forward
    emb_norm = _l2_normalize(embeddings, axis=1)
    proto_norm = _l2_normalize(prototypes, axis=1)
    sim_matrix = jnp.matmul(emb_norm, proto_norm.T) / TEMPERATURE  # [B, K]
    cid = cluster_ids[:, None]  # [B, 1]
    pos_sim = jnp.take_along_axis(sim_matrix, cid, axis=1)  # [B, 1]
    # scatter_(1, cid, -inf): mask positive column per row
    rows = jnp.arange(sim_matrix.shape[0])[:, None]
    neg_sim = sim_matrix.at[rows, cid].set(-jnp.inf)
    max_val = jnp.max(neg_sim, axis=1, keepdims=True)
    log_sum_exp = jnp.log(jnp.sum(jnp.exp(neg_sim - max_val), axis=1, keepdims=True)) + max_val
    loss = -pos_sim + log_sum_exp
    # NOTE: the torch module also performs an in-place momentum update of
    # self.prototypes under no_grad AFTER the loss is computed; it does not
    # affect the forward output (the mean loss), so it is omitted here.
    return jnp.mean(loss)

if __name__ == "__main__":
    import jax
    _d = setup_inputs()
    print(jax.jit(kernel)(*tuple(_d.values())))

</pallas_src>

<mosaic_0001>
#map = affine_map<(d0, d1) -> (0, 0)>
#map1 = affine_map<(d0, d1) -> (0)>
module attributes {stable_mosaic.version = 14 : i64} {
  func.func @gather_kernel(%arg0: i32, %arg1: i32, %arg2: memref<8192x256xf32, #tpu.memory_space<hbm>>, %arg3: memref<16384xi32, #tpu.memory_space<hbm>>, %arg4: memref<16384x256xf32, #tpu.memory_space<hbm>>, %arg5: memref<4x128xi32, #tpu.memory_space<vmem>>, %arg6: memref<128x256xf32, #tpu.memory_space<vmem>>, %arg7: memref<128x256xf32, #tpu.memory_space<vmem>>, %arg8: memref<128x256xf32, #tpu.memory_space<vmem>>, %arg9: memref<!tpu.dma_semaphore, #tpu.memory_space<semaphore_mem>>, %arg10: memref<!tpu.dma_semaphore, #tpu.memory_space<semaphore_mem>>, %arg11: memref<!tpu.dma_semaphore, #tpu.memory_space<semaphore_mem>>, %arg12: memref<!tpu.dma_semaphore, #tpu.memory_space<semaphore_mem>>, %arg13: memref<!tpu.dma_semaphore, #tpu.memory_space<semaphore_mem>>, %arg14: memref<!tpu.dma_semaphore, #tpu.memory_space<semaphore_mem>>) attributes {dimension_semantics = [#tpu.dimension_semantics<core_parallel>, #tpu.dimension_semantics<subcore_parallel>], iteration_bounds = array<i64: 2, 16>, scalar_prefetch = 0 : i64, scratch_operands = 10 : i64, tpu.core_type = #tpu.core_type<sc_vector_subcore>, window_params = [{transform_indices = #map}, {transform_indices = #map1}, {transform_indices = #map}]} {
    %mul3A = arith.constant 2 : i32
    %mul3A_0 = arith.muli %arg1, %mul3A : i32
    %add3A = arith.addi %mul3A_0, %arg0 : i32
    %mul3A_1 = arith.constant 512 : i32
    %mul3A_2 = arith.muli %add3A, %mul3A_1 : i32
    %add3A_3 = arith.constant 0 : i32
    %add3A_4 = arith.addi %mul3A_2, %add3A_3 : i32
    %run_scoped3A = arith.constant 0 : i32
    "tpu.region"() ({
      %run_scoped3A_108 = tpu.sem_alloc : memref<!tpu.dma_semaphore, #tpu.memory_space<semaphore_mem>>
      %dma_start3A_109 = arith.constant 0 : i32
      %dma_start3A_110 = tpu.memref_slice %arg5[%run_scoped3A, %dma_start3A_109] : memref<4x128xi32, #tpu.memory_space<vmem>> -> memref<1x128xi32, #tpu.memory_space<vmem>>
      %dma_start3A_111 = tpu.memref_squeeze %dma_start3A_110 : memref<1x128xi32, #tpu.memory_space<vmem>> -> memref<128xi32, #tpu.memory_space<vmem>>
      %dma_start3A_112 = tpu.memref_slice %arg3[%add3A_4] : memref<16384xi32, #tpu.memory_space<hbm>> -> memref<128xi32, #tpu.memory_space<hbm>>
      %dma_start3A_113 = arith.constant 0 : i32
      %dma_start3A_114 = tpu.memref_slice %arg5[%run_scoped3A, %dma_start3A_113] : memref<4x128xi32, #tpu.memory_space<vmem>> -> memref<1x128xi32, #tpu.memory_space<vmem>>
      %dma_start3A_115 = tpu.memref_squeeze %dma_start3A_114 : memref<1x128xi32, #tpu.memory_space<vmem>> -> memref<128xi32, #tpu.memory_space<vmem>>
      %dma_start3A_116 = tpu.memref_slice %arg3[%add3A_4] : memref<16384xi32, #tpu.memory_space<hbm>> -> memref<128xi32, #tpu.memory_space<hbm>>
      tpu.enqueue_dma source(%dma_start3A_116 : memref<128xi32, #tpu.memory_space<hbm>>) target(%dma_start3A_115 : memref<128xi32, #tpu.memory_space<vmem>>) target_semaphore(%run_scoped3A_108 : memref<!tpu.dma_semaphore, #tpu.memory_space<semaphore_mem>>)
      %dma_wait3A_117 = arith.constant 0 : i32
      %dma_wait3A_118 = tpu.memref_slice %arg5[%run_scoped3A, %dma_wait3A_117] : memref<4x128xi32, #tpu.memory_space<vmem>> -> memref<1x128xi32, #tpu.memory_space<vmem>>
      %dma_wait3A_119 = tpu.memref_squeeze %dma_wait3A_118 : memref<1x128xi32, #tpu.memory_space<vmem>> -> memref<128xi32, #tpu.memory_space<vmem>>
      %dma_wait3A_120 = tpu.memref_slice %arg3[%add3A_4] : memref<16384xi32, #tpu.memory_space<hbm>> -> memref<128xi32, #tpu.memory_space<hbm>>
      %dma_wait3A_121 = arith.constant 0 : i32
      %dma_wait3A_122 = tpu.memref_slice %arg5[%run_scoped3A, %dma_wait3A_121] : memref<4x128xi32, #tpu.memory_space<vmem>> -> memref<1x128xi32, #tpu.memory_space<vmem>>
      %dma_wait3A_123 = tpu.memref_squeeze %dma_wait3A_122 : memref<1x128xi32, #tpu.memory_space<vmem>> -> memref<128xi32, #tpu.memory_space<vmem>>
      %dma_wait3A_124 = tpu.memref_slice %arg3[%add3A_4] : memref<16384xi32, #tpu.memory_space<hbm>> -> memref<128xi32, #tpu.memory_space<hbm>>
      tpu.wait_dma2 semaphore(%run_scoped3A_108 : memref<!tpu.dma_semaphore, #tpu.memory_space<semaphore_mem>>) src(%dma_wait3A_124 : memref<128xi32, #tpu.memory_space<hbm>>) dst(%dma_wait3A_123 : memref<128xi32, #tpu.memory_space<vmem>>)
      tpu.yield
    }) : () -> ()
    %add3A_5 = arith.constant 128 : i32
    %add3A_6 = arith.addi %mul3A_2, %add3A_5 : i32
    %run_scoped3A_7 = arith.constant 1 : i32
    "tpu.region"() ({
      %run_scoped3A_108 = tpu.sem_alloc : memref<!tpu.dma_semaphore, #tpu.memory_space<semaphore_mem>>
      %dma_start3A_109 = arith.constant 0 : i32
      %dma_start3A_110 = tpu.memref_slice %arg5[%run_scoped3A_7, %dma_start3A_109] : memref<4x128xi32, #tpu.memory_space<vmem>> -> memref<1x128xi32, #tpu.memory_space<vmem>>
      %dma_start3A_111 = tpu.memref_squeeze %dma_start3A_110 : memref<1x128xi32, #tpu.memory_space<vmem>> -> memref<128xi32, #tpu.memory_space<vmem>>
      %dma_start3A_112 = tpu.memref_slice %arg3[%add3A_6] : memref<16384xi32, #tpu.memory_space<hbm>> -> memref<128xi32, #tpu.memory_space<hbm>>
      %dma_start3A_113 = arith.constant 0 : i32
      %dma_start3A_114 = tpu.memref_slice %arg5[%run_scoped3A_7, %dma_start3A_113] : memref<4x128xi32, #tpu.memory_space<vmem>> -> memref<1x128xi32, #tpu.memory_space<vmem>>
      %dma_start3A_115 = tpu.memref_squeeze %dma_start3A_114 : memref<1x128xi32, #tpu.memory_space<vmem>> -> memref<128xi32, #tpu.memory_space<vmem>>
      %dma_start3A_116 = tpu.memref_slice %arg3[%add3A_6] : memref<16384xi32, #tpu.memory_space<hbm>> -> memref<128xi32, #tpu.memory_space<hbm>>
      tpu.enqueue_dma source(%dma_start3A_116 : memref<128xi32, #tpu.memory_space<hbm>>) target(%dma_start3A_115 : memref<128xi32, #tpu.memory_space<vmem>>) target_semaphore(%run_scoped3A_108 : memref<!tpu.dma_semaphore, #tpu.memory_space<semaphore_mem>>)
      %dma_wait3A_117 = arith.constant 0 : i32
      %dma_wait3A_118 = tpu.memref_slice %arg5[%run_scoped3A_7, %dma_wait3A_117] : memref<4x128xi32, #tpu.memory_space<vmem>> -> memref<1x128xi32, #tpu.memory_space<vmem>>
      %dma_wait3A_119 = tpu.memref_squeeze %dma_wait3A_118 : memref<1x128xi32, #tpu.memory_space<vmem>> -> memref<128xi32, #tpu.memory_space<vmem>>
      %dma_wait3A_120 = tpu.memref_slice %arg3[%add3A_6] : memref<16384xi32, #tpu.memory_space<hbm>> -> memref<128xi32, #tpu.memory_space<hbm>>
      %dma_wait3A_121 = arith.constant 0 : i32
      %dma_wait3A_122 = tpu.memref_slice %arg5[%run_scoped3A_7, %dma_wait3A_121] : memref<4x128xi32, #tpu.memory_space<vmem>> -> memref<1x128xi32, #tpu.memory_space<vmem>>
      %dma_wait3A_123 = tpu.memref_squeeze %dma_wait3A_122 : memref<1x128xi32, #tpu.memory_space<vmem>> -> memref<128xi32, #tpu.memory_space<vmem>>
      %dma_wait3A_124 = tpu.memref_slice %arg3[%add3A_6] : memref<16384xi32, #tpu.memory_space<hbm>> -> memref<128xi32, #tpu.memory_space<hbm>>
      tpu.wait_dma2 semaphore(%run_scoped3A_108 : memref<!tpu.dma_semaphore, #tpu.memory_space<semaphore_mem>>) src(%dma_wait3A_124 : memref<128xi32, #tpu.memory_space<hbm>>) dst(%dma_wait3A_123 : memref<128xi32, #tpu.memory_space<vmem>>)
      tpu.yield
    }) : () -> ()
    %add3A_8 = arith.constant 256 : i32
    %add3A_9 = arith.addi %mul3A_2, %add3A_8 : i32
    %run_scoped3A_10 = arith.constant 2 : i32
    "tpu.region"() ({
      %run_scoped3A_108 = tpu.sem_alloc : memref<!tpu.dma_semaphore, #tpu.memory_space<semaphore_mem>>
      %dma_start3A_109 = arith.constant 0 : i32
      %dma_start3A_110 = tpu.memref_slice %arg5[%run_scoped3A_10, %dma_start3A_109] : memref<4x128xi32, #tpu.memory_space<vmem>> -> memref<1x128xi32, #tpu.memory_space<vmem>>
      %dma_start3A_111 = tpu.memref_squeeze %dma_start3A_110 : memref<1x128xi32, #tpu.memory_space<vmem>> -> memref<128xi32, #tpu.memory_space<vmem>>
      %dma_start3A_112 = tpu.memref_slice %arg3[%add3A_9] : memref<16384xi32, #tpu.memory_space<hbm>> -> memref<128xi32, #tpu.memory_space<hbm>>
      %dma_start3A_113 = arith.constant 0 : i32
      %dma_start3A_114 = tpu.memref_slice %arg5[%run_scoped3A_10, %dma_start3A_113] : memref<4x128xi32, #tpu.memory_space<vmem>> -> memref<1x128xi32, #tpu.memory_space<vmem>>
      %dma_start3A_115 = tpu.memref_squeeze %dma_start3A_114 : memref<1x128xi32, #tpu.memory_space<vmem>> -> memref<128xi32, #tpu.memory_space<vmem>>
      %dma_start3A_116 = tpu.memref_slice %arg3[%add3A_9] : memref<16384xi32, #tpu.memory_space<hbm>> -> memref<128xi32, #tpu.memory_space<hbm>>
      tpu.enqueue_dma source(%dma_start3A_116 : memref<128xi32, #tpu.memory_space<hbm>>) target(%dma_start3A_115 : memref<128xi32, #tpu.memory_space<vmem>>) target_semaphore(%run_scoped3A_108 : memref<!tpu.dma_semaphore, #tpu.memory_space<semaphore_mem>>)
      %dma_wait3A_117 = arith.constant 0 : i32
      %dma_wait3A_118 = tpu.memref_slice %arg5[%run_scoped3A_10, %dma_wait3A_117] : memref<4x128xi32, #tpu.memory_space<vmem>> -> memref<1x128xi32, #tpu.memory_space<vmem>>
      %dma_wait3A_119 = tpu.memref_squeeze %dma_wait3A_118 : memref<1x128xi32, #tpu.memory_space<vmem>> -> memref<128xi32, #tpu.memory_space<vmem>>
      %dma_wait3A_120 = tpu.memref_slice %arg3[%add3A_9] : memref<16384xi32, #tpu.memory_space<hbm>> -> memref<128xi32, #tpu.memory_space<hbm>>
      %dma_wait3A_121 = arith.constant 0 : i32
      %dma_wait3A_122 = tpu.memref_slice %arg5[%run_scoped3A_10, %dma_wait3A_121] : memref<4x128xi32, #tpu.memory_space<vmem>> -> memref<1x128xi32, #tpu.memory_space<vmem>>
      %dma_wait3A_123 = tpu.memref_squeeze %dma_wait3A_122 : memref<1x128xi32, #tpu.memory_space<vmem>> -> memref<128xi32, #tpu.memory_space<vmem>>
      %dma_wait3A_124 = tpu.memref_slice %arg3[%add3A_9] : memref<16384xi32, #tpu.memory_space<hbm>> -> memref<128xi32, #tpu.memory_space<hbm>>
      tpu.wait_dma2 semaphore(%run_scoped3A_108 : memref<!tpu.dma_semaphore, #tpu.memory_space<semaphore_mem>>) src(%dma_wait3A_124 : memref<128xi32, #tpu.memory_space<hbm>>) dst(%dma_wait3A_123 : memref<128xi32, #tpu.memory_space<vmem>>)
      tpu.yield
    }) : () -> ()
    %add3A_11 = arith.constant 384 : i32
    %add3A_12 = arith.addi %mul3A_2, %add3A_11 : i32
    %run_scoped3A_13 = arith.constant 3 : i32
    "tpu.region"() ({
      %run_scoped3A_108 = tpu.sem_alloc : memref<!tpu.dma_semaphore, #tpu.memory_space<semaphore_mem>>
      %dma_start3A_109 = arith.constant 0 : i32
      %dma_start3A_110 = tpu.memref_slice %arg5[%run_scoped3A_13, %dma_start3A_109] : memref<4x128xi32, #tpu.memory_space<vmem>> -> memref<1x128xi32, #tpu.memory_space<vmem>>
      %dma_start3A_111 = tpu.memref_squeeze %dma_start3A_110 : memref<1x128xi32, #tpu.memory_space<vmem>> -> memref<128xi32, #tpu.memory_space<vmem>>
      %dma_start3A_112 = tpu.memref_slice %arg3[%add3A_12] : memref<16384xi32, #tpu.memory_space<hbm>> -> memref<128xi32, #tpu.memory_space<hbm>>
      %dma_start3A_113 = arith.constant 0 : i32
      %dma_start3A_114 = tpu.memref_slice %arg5[%run_scoped3A_13, %dma_start3A_113] : memref<4x128xi32, #tpu.memory_space<vmem>> -> memref<1x128xi32, #tpu.memory_space<vmem>>
      %dma_start3A_115 = tpu.memref_squeeze %dma_start3A_114 : memref<1x128xi32, #tpu.memory_space<vmem>> -> memref<128xi32, #tpu.memory_space<vmem>>
      %dma_start3A_116 = tpu.memref_slice %arg3[%add3A_12] : memref<16384xi32, #tpu.memory_space<hbm>> -> memref<128xi32, #tpu.memory_space<hbm>>
      tpu.enqueue_dma source(%dma_start3A_116 : memref<128xi32, #tpu.memory_space<hbm>>) target(%dma_start3A_115 : memref<128xi32, #tpu.memory_space<vmem>>) target_semaphore(%run_scoped3A_108 : memref<!tpu.dma_semaphore, #tpu.memory_space<semaphore_mem>>)
      %dma_wait3A_117 = arith.constant 0 : i32
      %dma_wait3A_118 = tpu.memref_slice %arg5[%run_scoped3A_13, %dma_wait3A_117] : memref<4x128xi32, #tpu.memory_space<vmem>> -> memref<1x128xi32, #tpu.memory_space<vmem>>
      %dma_wait3A_119 = tpu.memref_squeeze %dma_wait3A_118 : memref<1x128xi32, #tpu.memory_space<vmem>> -> memref<128xi32, #tpu.memory_space<vmem>>
      %dma_wait3A_120 = tpu.memref_slice %arg3[%add3A_12] : memref<16384xi32, #tpu.memory_space<hbm>> -> memref<128xi32, #tpu.memory_space<hbm>>
      %dma_wait3A_121 = arith.constant 0 : i32
      %dma_wait3A_122 = tpu.memref_slice %arg5[%run_scoped3A_13, %dma_wait3A_121] : memref<4x128xi32, #tpu.memory_space<vmem>> -> memref<1x128xi32, #tpu.memory_space<vmem>>
      %dma_wait3A_123 = tpu.memref_squeeze %dma_wait3A_122 : memref<1x128xi32, #tpu.memory_space<vmem>> -> memref<128xi32, #tpu.memory_space<vmem>>
      %dma_wait3A_124 = tpu.memref_slice %arg3[%add3A_12] : memref<16384xi32, #tpu.memory_space<hbm>> -> memref<128xi32, #tpu.memory_space<hbm>>
      tpu.wait_dma2 semaphore(%run_scoped3A_108 : memref<!tpu.dma_semaphore, #tpu.memory_space<semaphore_mem>>) src(%dma_wait3A_124 : memref<128xi32, #tpu.memory_space<hbm>>) dst(%dma_wait3A_123 : memref<128xi32, #tpu.memory_space<vmem>>)
      tpu.yield
    }) : () -> ()
    %dma_start3A = arith.constant 0 : i32
    %dma_start3A_14 = arith.constant 0 : i32
    %dma_start3A_15 = tpu.memref_slice %arg5[%dma_start3A, %dma_start3A_14] : memref<4x128xi32, #tpu.memory_space<vmem>> -> memref<1x128xi32, #tpu.memory_space<vmem>>
    %dma_start3A_16 = tpu.memref_squeeze %dma_start3A_15 : memref<1x128xi32, #tpu.memory_space<vmem>> -> memref<128xi32, #tpu.memory_space<vmem>>
    %dma_start3A_17 = arith.constant 0 : i32
    %dma_start3A_18 = arith.constant 0 : i32
    %dma_start3A_19 = tpu.memref_slice %arg2[%dma_start3A_17, %dma_start3A_18] : memref<8192x256xf32, #tpu.memory_space<hbm>> -> memref<8192x256xf32, #tpu.memory_space<hbm>>
    tpu.enqueue_indirect_dma source(%dma_start3A_19 : memref<8192x256xf32, #tpu.memory_space<hbm>>) target(%arg6 : memref<128x256xf32, #tpu.memory_space<vmem>>) offsets(%dma_start3A_16 : memref<128xi32, #tpu.memory_space<vmem>>) semaphore(%arg9 : memref<!tpu.dma_semaphore, #tpu.memory_space<semaphore_mem>>)
    %dma_start3A_20 = arith.constant 1 : i32
    %dma_start3A_21 = arith.constant 0 : i32
    %dma_start3A_22 = tpu.memref_slice %arg5[%dma_start3A_20, %dma_start3A_21] : memref<4x128xi32, #tpu.memory_space<vmem>> -> memref<1x128xi32, #tpu.memory_space<vmem>>
    %dma_start3A_23 = tpu.memref_squeeze %dma_start3A_22 : memref<1x128xi32, #tpu.memory_space<vmem>> -> memref<128xi32, #tpu.memory_space<vmem>>
    %dma_start3A_24 = arith.constant 0 : i32
    %dma_start3A_25 = arith.constant 0 : i32
    %dma_start3A_26 = tpu.memref_slice %arg2[%dma_start3A_24, %dma_start3A_25] : memref<8192x256xf32, #tpu.memory_space<hbm>> -> memref<8192x256xf32, #tpu.memory_space<hbm>>
    tpu.enqueue_indirect_dma source(%dma_start3A_26 : memref<8192x256xf32, #tpu.memory_space<hbm>>) target(%arg7 : memref<128x256xf32, #tpu.memory_space<vmem>>) offsets(%dma_start3A_23 : memref<128xi32, #tpu.memory_space<vmem>>) semaphore(%arg10 : memref<!tpu.dma_semaphore, #tpu.memory_space<semaphore_mem>>)
    %dma_start3A_27 = arith.constant 2 : i32
    %dma_start3A_28 = arith.constant 0 : i32
    %dma_start3A_29 = tpu.memref_slice %arg5[%dma_start3A_27, %dma_start3A_28] : memref<4x128xi32, #tpu.memory_space<vmem>> -> memref<1x128xi32, #tpu.memory_space<vmem>>
    %dma_start3A_30 = tpu.memref_squeeze %dma_start3A_29 : memref<1x128xi32, #tpu.memory_space<vmem>> -> memref<128xi32, #tpu.memory_space<vmem>>
    %dma_start3A_31 = arith.constant 0 : i32
    %dma_start3A_32 = arith.constant 0 : i32
    %dma_start3A_33 = tpu.memref_slice %arg2[%dma_start3A_31, %dma_start3A_32] : memref<8192x256xf32, #tpu.memory_space<hbm>> -> memref<8192x256xf32, #tpu.memory_space<hbm>>
    tpu.enqueue_indirect_dma source(%dma_start3A_33 : memref<8192x256xf32, #tpu.memory_space<hbm>>) target(%arg8 : memref<128x256xf32, #tpu.memory_space<vmem>>) offsets(%dma_start3A_30 : memref<128xi32, #tpu.memory_space<vmem>>) semaphore(%arg11 : memref<!tpu.dma_semaphore, #tpu.memory_space<semaphore_mem>>)
    %dma_wait3A = arith.constant 0 : i32
    %dma_wait3A_34 = arith.constant 0 : i32
    %dma_wait3A_35 = tpu.memref_slice %arg5[%dma_wait3A, %dma_wait3A_34] : memref<4x128xi32, #tpu.memory_space<vmem>> -> memref<1x128xi32, #tpu.memory_space<vmem>>
    %dma_wait3A_36 = tpu.memref_squeeze %dma_wait3A_35 : memref<1x128xi32, #tpu.memory_space<vmem>> -> memref<128xi32, #tpu.memory_space<vmem>>
    %dma_wait3A_37 = arith.constant 0 : i32
    %dma_wait3A_38 = arith.constant 0 : i32
    %dma_wait3A_39 = tpu.memref_slice %arg2[%dma_wait3A_37, %dma_wait3A_38] : memref<8192x256xf32, #tpu.memory_space<hbm>> -> memref<8192x256xf32, #tpu.memory_space<hbm>>
    tpu.wait_indirect_dma semaphore(%arg9 : memref<!tpu.dma_semaphore, #tpu.memory_space<semaphore_mem>>) src(%dma_wait3A_39 : memref<8192x256xf32, #tpu.memory_space<hbm>>) dst(%arg6 : memref<128x256xf32, #tpu.memory_space<vmem>>)
    %add3A_40 = arith.constant 0 : i32
    %add3A_41 = arith.addi %mul3A_2, %add3A_40 : i32
    %dma_start3A_42 = arith.constant 0 : i32
    %dma_start3A_43 = tpu.memref_slice %arg4[%add3A_41, %dma_start3A_42] : memref<16384x256xf32, #tpu.memory_space<hbm>> -> memref<128x256xf32, #tpu.memory_space<hbm>>
    %dma_start3A_44 = arith.constant 0 : i32
    %dma_start3A_45 = tpu.memref_slice %arg4[%add3A_41, %dma_start3A_44] : memref<16384x256xf32, #tpu.memory_space<hbm>> -> memref<128x256xf32, #tpu.memory_space<hbm>>
    tpu.enqueue_dma source(%arg6 : memref<128x256xf32, #tpu.memory_space<vmem>>) target(%dma_start3A_45 : memref<128x256xf32, #tpu.memory_space<hbm>>) target_semaphore(%arg12 : memref<!tpu.dma_semaphore, #tpu.memory_space<semaphore_mem>>)
    %dma_wait3A_46 = arith.constant 0 : i32
    %dma_wait3A_47 = tpu.memref_slice %arg4[%add3A_41, %dma_wait3A_46] : memref<16384x256xf32, #tpu.memory_space<hbm>> -> memref<128x256xf32, #tpu.memory_space<hbm>>
    %dma_wait3A_48 = arith.constant 0 : i32
    %dma_wait3A_49 = tpu.memref_slice %arg4[%add3A_41, %dma_wait3A_48] : memref<16384x256xf32, #tpu.memory_space<hbm>> -> memref<128x256xf32, #tpu.memory_space<hbm>>
    tpu.wait_dma2 semaphore(%arg12 : memref<!tpu.dma_semaphore, #tpu.memory_space<semaphore_mem>>) src(%arg6 : memref<128x256xf32, #tpu.memory_space<vmem>>) dst(%dma_wait3A_49 : memref<128x256xf32, #tpu.memory_space<hbm>>)
    %dma_start3A_50 = arith.constant 3 : i32
    %dma_start3A_51 = arith.constant 0 : i32
    %dma_start3A_52 = tpu.memref_slice %arg5[%dma_start3A_50, %dma_start3A_51] : memref<4x128xi32, #tpu.memory_space<vmem>> -> memref<1x128xi32, #tpu.memory_space<vmem>>
    %dma_start3A_53 = tpu.memref_squeeze %dma_start3A_52 : memref<1x128xi32, #tpu.memory_space<vmem>> -> memref<128xi32, #tpu.memory_space<vmem>>
    %dma_start3A_54 = arith.constant 0 : i32
    %dma_start3A_55 = arith.constant 0 : i32
    %dma_start3A_56 = tpu.memref_slice %arg2[%dma_start3A_54, %dma_start3A_55] : memref<8192x256xf32, #tpu.memory_space<hbm>> -> memref<8192x256xf32, #tpu.memory_space<hbm>>
    tpu.enqueue_indirect_dma source(%dma_start3A_56 : memref<8192x256xf32, #tpu.memory_space<hbm>>) target(%arg6 : memref<128x256xf32, #tpu.memory_space<vmem>>) offsets(%dma_start3A_53 : memref<128xi32, #tpu.memory_space<vmem>>) semaphore(%arg9 : memref<!tpu.dma_semaphore, #tpu.memory_space<semaphore_mem>>)
    %dma_wait3A_57 = arith.constant 1 : i32
    %dma_wait3A_58 = arith.constant 0 : i32
    %dma_wait3A_59 = tpu.memref_slice %arg5[%dma_wait3A_57, %dma_wait3A_58] : memref<4x128xi32, #tpu.memory_space<vmem>> -> memref<1x128xi32, #tpu.memory_space<vmem>>
    %dma_wait3A_60 = tpu.memref_squeeze %dma_wait3A_59 : memref<1x128xi32, #tpu.memory_space<vmem>> -> memref<128xi32, #tpu.memory_space<vmem>>
    %dma_wait3A_61 = arith.constant 0 : i32
    %dma_wait3A_62 = arith.constant 0 : i32
    %dma_wait3A_63 = tpu.memref_slice %arg2[%dma_wait3A_61, %dma_wait3A_62] : memref<8192x256xf32, #tpu.memory_space<hbm>> -> memref<8192x256xf32, #tpu.memory_space<hbm>>
    tpu.wait_indirect_dma semaphore(%arg10 : memref<!tpu.dma_semaphore, #tpu.memory_space<semaphore_mem>>) src(%dma_wait3A_63 : memref<8192x256xf32, #tpu.memory_space<hbm>>) dst(%arg7 : memref<128x256xf32, #tpu.memory_space<vmem>>)
    %add3A_64 = arith.constant 128 : i32
    %add3A_65 = arith.addi %mul3A_2, %add3A_64 : i32
    %dma_start3A_66 = arith.constant 0 : i32
    %dma_start3A_67 = tpu.memref_slice %arg4[%add3A_65, %dma_start3A_66] : memref<16384x256xf32, #tpu.memory_space<hbm>> -> memref<128x256xf32, #tpu.memory_space<hbm>>
    %dma_start3A_68 = arith.constant 0 : i32
    %dma_start3A_69 = tpu.memref_slice %arg4[%add3A_65, %dma_start3A_68] : memref<16384x256xf32, #tpu.memory_space<hbm>> -> memref<128x256xf32, #tpu.memory_space<hbm>>
    tpu.enqueue_dma source(%arg7 : memref<128x256xf32, #tpu.memory_space<vmem>>) target(%dma_start3A_69 : memref<128x256xf32, #tpu.memory_space<hbm>>) target_semaphore(%arg13 : memref<!tpu.dma_semaphore, #tpu.memory_space<semaphore_mem>>)
    %dma_wait3A_70 = arith.constant 2 : i32
    %dma_wait3A_71 = arith.constant 0 : i32
    %dma_wait3A_72 = tpu.memref_slice %arg5[%dma_wait3A_70, %dma_wait3A_71] : memref<4x128xi32, #tpu.memory_space<vmem>> -> memref<1x128xi32, #tpu.memory_space<vmem>>
    %dma_wait3A_73 = tpu.memref_squeeze %dma_wait3A_72 : memref<1x128xi32, #tpu.memory_space<vmem>> -> memref<128xi32, #tpu.memory_space<vmem>>
    %dma_wait3A_74 = arith.constant 0 : i32
    %dma_wait3A_75 = arith.constant 0 : i32
    %dma_wait3A_76 = tpu.memref_slice %arg2[%dma_wait3A_74, %dma_wait3A_75] : memref<8192x256xf32, #tpu.memory_space<hbm>> -> memref<8192x256xf32, #tpu.memory_space<hbm>>
    tpu.wait_indirect_dma semaphore(%arg11 : memref<!tpu.dma_semaphore, #tpu.memory_space<semaphore_mem>>) src(%dma_wait3A_76 : memref<8192x256xf32, #tpu.memory_space<hbm>>) dst(%arg8 : memref<128x256xf32, #tpu.memory_space<vmem>>)
    %add3A_77 = arith.constant 256 : i32
    %add3A_78 = arith.addi %mul3A_2, %add3A_77 : i32
    %dma_start3A_79 = arith.constant 0 : i32
    %dma_start3A_80 = tpu.memref_slice %arg4[%add3A_78, %dma_start3A_79] : memref<16384x256xf32, #tpu.memory_space<hbm>> -> memref<128x256xf32, #tpu.memory_space<hbm>>
    %dma_start3A_81 = arith.constant 0 : i32
    %dma_start3A_82 = tpu.memref_slice %arg4[%add3A_78, %dma_start3A_81] : memref<16384x256xf32, #tpu.memory_space<hbm>> -> memref<128x256xf32, #tpu.memory_space<hbm>>
    tpu.enqueue_dma source(%arg8 : memref<128x256xf32, #tpu.memory_space<vmem>>) target(%dma_start3A_82 : memref<128x256xf32, #tpu.memory_space<hbm>>) target_semaphore(%arg14 : memref<!tpu.dma_semaphore, #tpu.memory_space<semaphore_mem>>)
    %dma_wait3A_83 = arith.constant 3 : i32
    %dma_wait3A_84 = arith.constant 0 : i32
    %dma_wait3A_85 = tpu.memref_slice %arg5[%dma_wait3A_83, %dma_wait3A_84] : memref<4x128xi32, #tpu.memory_space<vmem>> -> memref<1x128xi32, #tpu.memory_space<vmem>>
    %dma_wait3A_86 = tpu.memref_squeeze %dma_wait3A_85 : memref<1x128xi32, #tpu.memory_space<vmem>> -> memref<128xi32, #tpu.memory_space<vmem>>
    %dma_wait3A_87 = arith.constant 0 : i32
    %dma_wait3A_88 = arith.constant 0 : i32
    %dma_wait3A_89 = tpu.memref_slice %arg2[%dma_wait3A_87, %dma_wait3A_88] : memref<8192x256xf32, #tpu.memory_space<hbm>> -> memref<8192x256xf32, #tpu.memory_space<hbm>>
    tpu.wait_indirect_dma semaphore(%arg9 : memref<!tpu.dma_semaphore, #tpu.memory_space<semaphore_mem>>) src(%dma_wait3A_89 : memref<8192x256xf32, #tpu.memory_space<hbm>>) dst(%arg6 : memref<128x256xf32, #tpu.memory_space<vmem>>)
    %add3A_90 = arith.constant 384 : i32
    %add3A_91 = arith.addi %mul3A_2, %add3A_90 : i32
    %dma_start3A_92 = arith.constant 0 : i32
    %dma_start3A_93 = tpu.memref_slice %arg4[%add3A_91, %dma_start3A_92] : memref<16384x256xf32, #tpu.memory_space<hbm>> -> memref<128x256xf32, #tpu.memory_space<hbm>>
    %dma_start3A_94 = arith.constant 0 : i32
    %dma_start3A_95 = tpu.memref_slice %arg4[%add3A_91, %dma_start3A_94] : memref<16384x256xf32, #tpu.memory_space<hbm>> -> memref<128x256xf32, #tpu.memory_space<hbm>>
    tpu.enqueue_dma source(%arg6 : memref<128x256xf32, #tpu.memory_space<vmem>>) target(%dma_start3A_95 : memref<128x256xf32, #tpu.memory_space<hbm>>) target_semaphore(%arg12 : memref<!tpu.dma_semaphore, #tpu.memory_space<semaphore_mem>>)
    %dma_wait3A_96 = arith.constant 0 : i32
    %dma_wait3A_97 = tpu.memref_slice %arg4[%add3A_65, %dma_wait3A_96] : memref<16384x256xf32, #tpu.memory_space<hbm>> -> memref<128x256xf32, #tpu.memory_space<hbm>>
    %dma_wait3A_98 = arith.constant 0 : i32
    %dma_wait3A_99 = tpu.memref_slice %arg4[%add3A_65, %dma_wait3A_98] : memref<16384x256xf32, #tpu.memory_space<hbm>> -> memref<128x256xf32, #tpu.memory_space<hbm>>
    tpu.wait_dma2 semaphore(%arg13 : memref<!tpu.dma_semaphore, #tpu.memory_space<semaphore_mem>>) src(%arg7 : memref<128x256xf32, #tpu.memory_space<vmem>>) dst(%dma_wait3A_99 : memref<128x256xf32, #tpu.memory_space<hbm>>)
    %dma_wait3A_100 = arith.constant 0 : i32
    %dma_wait3A_101 = tpu.memref_slice %arg4[%add3A_78, %dma_wait3A_100] : memref<16384x256xf32, #tpu.memory_space<hbm>> -> memref<128x256xf32, #tpu.memory_space<hbm>>
    %dma_wait3A_102 = arith.constant 0 : i32
    %dma_wait3A_103 = tpu.memref_slice %arg4[%add3A_78, %dma_wait3A_102] : memref<16384x256xf32, #tpu.memory_space<hbm>> -> memref<128x256xf32, #tpu.memory_space<hbm>>
    tpu.wait_dma2 semaphore(%arg14 : memref<!tpu.dma_semaphore, #tpu.memory_space<semaphore_mem>>) src(%arg8 : memref<128x256xf32, #tpu.memory_space<vmem>>) dst(%dma_wait3A_103 : memref<128x256xf32, #tpu.memory_space<hbm>>)
    %dma_wait3A_104 = arith.constant 0 : i32
    %dma_wait3A_105 = tpu.memref_slice %arg4[%add3A_91, %dma_wait3A_104] : memref<16384x256xf32, #tpu.memory_space<hbm>> -> memref<128x256xf32, #tpu.memory_space<hbm>>
    %dma_wait3A_106 = arith.constant 0 : i32
    %dma_wait3A_107 = tpu.memref_slice %arg4[%add3A_91, %dma_wait3A_106] : memref<16384x256xf32, #tpu.memory_space<hbm>> -> memref<128x256xf32, #tpu.memory_space<hbm>>
    tpu.wait_dma2 semaphore(%arg12 : memref<!tpu.dma_semaphore, #tpu.memory_space<semaphore_mem>>) src(%arg6 : memref<128x256xf32, #tpu.memory_space<vmem>>) dst(%dma_wait3A_107 : memref<128x256xf32, #tpu.memory_space<hbm>>)
    return
  }
}

module attributes {stable_mosaic.version = 14 : i64} {
  func.func @_fused_body(%arg0: i32, %arg1: i32, %arg2: memref<4096x256xf32, #tpu.memory_space<vmem>>, %arg3: memref<4096x256xf32, #tpu.memory_space<vmem>>, %arg4: memref<8192x256xbf16, #tpu.memory_space<vmem>>, %arg5: memref<1x1xf32, #tpu.memory_space<vmem>>, %arg6: memref<4096x256xbf16, #tpu.memory_space<vmem>>, %arg7: memref<4096x1xf32, #tpu.memory_space<vmem>>, %arg8: memref<4096x128xf32, #tpu.memory_space<vmem>>) attributes {dimension_semantics = [#tpu.dimension_semantics<arbitrary>, #tpu.dimension_semantics<arbitrary>], iteration_bounds = array<i64: 4, 1>, scalar_prefetch = 0 : i64, scratch_operands = 3 : i64, tpu.core_type = #tpu.core_type<tc>, window_params = [{transform_indices = @transform_0, window_bounds = array<i64: 4096, 256>}, {transform_indices = @transform_1, window_bounds = array<i64: 4096, 256>}, {transform_indices = @transform_2, window_bounds = array<i64: 8192, 256>}, {pipeline_mode = #tpu.pipeline_mode<synchronous>, transform_indices = @transform_3, window_bounds = array<i64: 1, 1>}]} {
    %eq3A = arith.constant 0 : i32
    %eq3A_0 = arith.cmpi eq, %arg1, %eq3A : i32
    %convert_element_type3A = arith.extui %eq3A_0 : i1 to i32
    %cond3A = arith.constant 0 : i32
    %cond3A_1 = arith.cmpi ne, %convert_element_type3A, %cond3A : i32
    scf.if %cond3A_1 {
      %get3A_362 = arith.constant 0 : index
      %get3A_363 = arith.constant 0 : index
      %get3A_364 = vector.load %arg2[%get3A_362, %get3A_363] : memref<4096x256xf32, #tpu.memory_space<vmem>>, vector<4096x256xf32>
      %mul3A = arith.mulf %get3A_364, %get3A_364 : vector<4096x256xf32>
      %reduce_sum3A = arith.constant dense<0.000000e+00> : vector<4096xf32>
      %reduce_sum3A_365 = vector.multi_reduction <add>, %mul3A, %reduce_sum3A [1] : vector<4096x256xf32> to vector<4096xf32>
      %broadcast_in_dim3A = vector.shape_cast %reduce_sum3A_365 : vector<4096xf32> to vector<4096x1xf32>
      %sqrt3A = math.sqrt %broadcast_in_dim3A : vector<4096x1xf32>
      %max3A = arith.constant 9.99999996E-13 : f32
      %max3A_366 = vector.broadcast %max3A : f32 to vector<4096x1xf32>
      %max3A_367 = arith.maximumf %sqrt3A, %max3A_366 : vector<4096x1xf32>
      %div3A = arith.constant 2.885390e+00 : f32
      %div3A_368 = vector.broadcast %div3A : f32 to vector<4096x1xf32>
      %div3A_369 = arith.divf %div3A_368, %max3A_367 : vector<4096x1xf32>
      %mul3A_370 = vector.broadcast %div3A_369 : vector<4096x1xf32> to vector<4096x256xf32>
      %mul3A_371 = arith.mulf %get3A_364, %mul3A_370 : vector<4096x256xf32>
      %convert_element_type3A_372 = arith.truncf %mul3A_371 : vector<4096x256xf32> to vector<4096x256xbf16>
      %swap3A_373 = arith.constant 0 : index
      %swap3A_374 = arith.constant 0 : index
      %swap3A_375 = vector.load %arg6[%swap3A_373, %swap3A_374] : memref<4096x256xbf16, #tpu.memory_space<vmem>>, vector<4096x256xbf16>
      tpu.vector_store %arg6[%swap3A_373, %swap3A_374], %convert_element_type3A_372 {strides = array<i32>} : memref<4096x256xbf16, #tpu.memory_space<vmem>>, vector<4096x256xbf16>,
      %get3A_376 = arith.constant 0 : index
      %get3A_377 = arith.constant 0 : index
      %get3A_378 = vector.load %arg3[%get3A_376, %get3A_377] : memref<4096x256xf32, #tpu.memory_space<vmem>>, vector<4096x256xf32>
      %mul3A_379 = arith.mulf %get3A_378, %get3A_378 : vector<4096x256xf32>
      %reduce_sum3A_380 = arith.constant dense<0.000000e+00> : vector<4096xf32>
      %reduce_sum3A_381 = vector.multi_reduction <add>, %mul3A_379, %reduce_sum3A_380 [1] : vector<4096x256xf32> to vector<4096xf32>
      %broadcast_in_dim3A_382 = vector.shape_cast %reduce_sum3A_381 : vector<4096xf32> to vector<4096x1xf32>
      %sqrt3A_383 = math.sqrt %broadcast_in_dim3A_382 : vector<4096x1xf32>
      %max3A_384 = arith.constant 9.99999996E-13 : f32
      %max3A_385 = vector.broadcast %max3A_384 : f32 to vector<4096x1xf32>
      %max3A_386 = arith.maximumf %sqrt3A_383, %max3A_385 : vector<4096x1xf32>
      %div3A_387 = vector.broadcast %max3A_386 : vector<4096x1xf32> to vector<4096x256xf32>
      %div3A_388 = arith.divf %get3A_378, %div3A_387 : vector<4096x256xf32>
      %mul3A_389 = arith.mulf %mul3A_371, %div3A_388 : vector<4096x256xf32>
      %reduce_sum3A_390 = arith.constant dense<0.000000e+00> : vector<4096xf32>
      %reduce_sum3A_391 = vector.multi_reduction <add>, %mul3A_389, %reduce_sum3A_390 [1] : vector<4096x256xf32> to vector<4096xf32>
      %broadcast_in_dim3A_392 = vector.shape_cast %reduce_sum3A_391 : vector<4096xf32> to vector<4096x1xf32>
      %swap3A_393 = arith.constant 0 : index
      %swap3A_394 = arith.constant 0 : index
      %swap3A_395 = vector.load %arg7[%swap3A_393, %swap3A_394] : memref<4096x1xf32, #tpu.memory_space<vmem>>, vector<4096x1xf32>
      tpu.vector_store %arg7[%swap3A_393, %swap3A_394], %broadcast_in_dim3A_392 {strides = array<i32>} : memref<4096x1xf32, #tpu.memory_space<vmem>>, vector<4096x1xf32>,
      %broadcast_in_dim3A_396 = arith.constant 0.000000e+00 : f32
      %broadcast_in_dim3A_397 = vector.broadcast %broadcast_in_dim3A_396 : f32 to vector<4096x128xf32>
      %swap3A_398 = arith.constant 0 : index
      %swap3A_399 = arith.constant 0 : index
      %swap3A_400 = vector.load %arg8[%swap3A_398, %swap3A_399] : memref<4096x128xf32, #tpu.memory_space<vmem>>, vector<4096x128xf32>
      tpu.vector_store %arg8[%swap3A_398, %swap3A_399], %broadcast_in_dim3A_397 {strides = array<i32>} : memref<4096x128xf32, #tpu.memory_space<vmem>>, vector<4096x128xf32>,
    } else {
    }
    %get3A = arith.constant 0 : index
    %get3A_2 = arith.constant 0 : index
    %get3A_3 = vector.load %arg6[%get3A, %get3A_2] : memref<4096x256xbf16, #tpu.memory_space<vmem>>, vector<4096x256xbf16>
    %get3A_4 = arith.constant 0 : index
    %get3A_5 = arith.constant 0 : index
    %get3A_6 = vector.load %arg4[%get3A_4, %get3A_5] : memref<8192x256xbf16, #tpu.memory_space<vmem>>, vector<256x256xbf16>
    %dot_general3A = arith.constant dense<0.000000e+00> : vector<4096x256xf32>
    %dot_general3A_7 = tpu.matmul %get3A_3, %get3A_6, %dot_general3A {dimension_numbers = #tpu.dot_dimension_numbers<[1], [1], [0], [0], [0, 0, 1, 0], [], []>, transpose_lhs_hint = false} : vector<4096x256xbf16>, vector<256x256xbf16>, vector<4096x256xf32> -> vector<4096x256xf32>
    %slice3A = vector.extract_strided_slice %dot_general3A_7 {offsets = [0, 0], sizes = [4096, 128], strides = [1, 1]} : vector<4096x256xf32> to vector<4096x128xf32>
    %exp23A = math.exp2 %slice3A : vector<4096x128xf32>
    %slice3A_8 = vector.extract_strided_slice %dot_general3A_7 {offsets = [0, 128], sizes = [4096, 128], strides = [1, 1]} : vector<4096x256xf32> to vector<4096x128xf32>
    %exp23A_9 = math.exp2 %slice3A_8 : vector<4096x128xf32>
    %get3A_10 = arith.constant 256 : index
    %get3A_11 = arith.constant 0 : index
    %get3A_12 = vector.load %arg4[%get3A_10, %get3A_11] : memref<8192x256xbf16, #tpu.memory_space<vmem>>, vector<256x256xbf16>
    %dot_general3A_13 = arith.constant dense<0.000000e+00> : vector<4096x256xf32>
    %dot_general3A_14 = tpu.matmul %get3A_3, %get3A_12, %dot_general3A_13 {dimension_numbers = #tpu.dot_dimension_numbers<[1], [1], [0], [0], [0, 0, 1, 0], [], []>, transpose_lhs_hint = false} : vector<4096x256xbf16>, vector<256x256xbf16>, vector<4096x256xf32> -> vector<4096x256xf32>
    %slice3A_15 = vector.extract_strided_slice %dot_general3A_14 {offsets = [0, 0], sizes = [4096, 128], strides = [1, 1]} : vector<4096x256xf32> to vector<4096x128xf32>
    %exp23A_16 = math.exp2 %slice3A_15 : vector<4096x128xf32>
    %slice3A_17 = vector.extract_strided_slice %dot_general3A_14 {offsets = [0, 128], sizes = [4096, 128], strides = [1, 1]} : vector<4096x256xf32> to vector<4096x128xf32>
    %exp23A_18 = math.exp2 %slice3A_17 : vector<4096x128xf32>
    %add3A = arith.addf %exp23A, %exp23A_16 : vector<4096x128xf32>
    %add3A_19 = arith.addf %exp23A_9, %exp23A_18 : vector<4096x128xf32>
    %get3A_20 = arith.constant 512 : index
    %get3A_21 = arith.constant 0 : index
    %get3A_22 = vector.load %arg4[%get3A_20, %get3A_21] : memref<8192x256xbf16, #tpu.memory_space<vmem>>, vector<256x256xbf16>
    %dot_general3A_23 = arith.constant dense<0.000000e+00> : vector<4096x256xf32>
    %dot_general3A_24 = tpu.matmul %get3A_3, %get3A_22, %dot_general3A_23 {dimension_numbers = #tpu.dot_dimension_numbers<[1], [1], [0], [0], [0, 0, 1, 0], [], []>, transpose_lhs_hint = false} : vector<4096x256xbf16>, vector<256x256xbf16>, vector<4096x256xf32> -> vector<4096x256xf32>
    %slice3A_25 = vector.extract_strided_slice %dot_general3A_24 {offsets = [0, 0], sizes = [4096, 128], strides = [1, 1]} : vector<4096x256xf32> to vector<4096x128xf32>
    %exp23A_26 = math.exp2 %slice3A_25 : vector<4096x128xf32>
    %slice3A_27 = vector.extract_strided_slice %dot_general3A_24 {offsets = [0, 128], sizes = [4096, 128], strides = [1, 1]} : vector<4096x256xf32> to vector<4096x128xf32>
    %exp23A_28 = math.exp2 %slice3A_27 : vector<4096x128xf32>
    %add3A_29 = arith.addf %add3A, %exp23A_26 : vector<4096x128xf32>
    %add3A_30 = arith.addf %add3A_19, %exp23A_28 : vector<4096x128xf32>
    %get3A_31 = arith.constant 768 : index
    %get3A_32 = arith.constant 0 : index
    %get3A_33 = vector.load %arg4[%get3A_31, %get3A_32] : memref<8192x256xbf16, #tpu.memory_space<vmem>>, vector<256x256xbf16>
    %dot_general3A_34 = arith.constant dense<0.000000e+00> : vector<4096x256xf32>
    %dot_general3A_35 = tpu.matmul %get3A_3, %get3A_33, %dot_general3A_34 {dimension_numbers = #tpu.dot_dimension_numbers<[1], [1], [0], [0], [0, 0, 1, 0], [], []>, transpose_lhs_hint = false} : vector<4096x256xbf16>, vector<256x256xbf16>, vector<4096x256xf32> -> vector<4096x256xf32>
    %slice3A_36 = vector.extract_strided_slice %dot_general3A_35 {offsets = [0, 0], sizes = [4096, 128], strides = [1, 1]} : vector<4096x256xf32> to vector<4096x128xf32>
    %exp23A_37 = math.exp2 %slice3A_36 : vector<4096x128xf32>
    %slice3A_38 = vector.extract_strided_slice %dot_general3A_35 {offsets = [0, 128], sizes = [4096, 128], strides = [1, 1]} : vector<4096x256xf32> to vector<4096x128xf32>
    %exp23A_39 = math.exp2 %slice3A_38 : vector<4096x128xf32>
    %add3A_40 = arith.addf %add3A_29, %exp23A_37 : vector<4096x128xf32>
    %add3A_41 = arith.addf %add3A_30, %exp23A_39 : vector<4096x128xf32>
    %get3A_42 = arith.constant 1024 : index
    %get3A_43 = arith.constant 0 : index
    %get3A_44 = vector.load %arg4[%get3A_42, %get3A_43] : memref<8192x256xbf16, #tpu.memory_space<vmem>>, vector<256x256xbf16>
    %dot_general3A_45 = arith.constant dense<0.000000e+00> : vector<4096x256xf32>
    %dot_general3A_46 = tpu.matmul %get3A_3, %get3A_44, %dot_general3A_45 {dimension_numbers = #tpu.dot_dimension_numbers<[1], [1], [0], [0], [0, 0, 1, 0], [], []>, transpose_lhs_hint = false} : vector<4096x256xbf16>, vector<256x256xbf16>, vector<4096x256xf32> -> vector<4096x256xf32>
    %slice3A_47 = vector.extract_strided_slice %dot_general3A_46 {offsets = [0, 0], sizes = [4096, 128], strides = [1, 1]} : vector<4096x256xf32> to vector<4096x128xf32>
    %exp23A_48 = math.exp2 %slice3A_47 : vector<4096x128xf32>
    %slice3A_49 = vector.extract_strided_slice %dot_general3A_46 {offsets = [0, 128], sizes = [4096, 128], strides = [1, 1]} : vector<4096x256xf32> to vector<4096x128xf32>
    %exp23A_50 = math.exp2 %slice3A_49 : vector<4096x128xf32>
    %add3A_51 = arith.addf %add3A_40, %exp23A_48 : vector<4096x128xf32>
    %add3A_52 = arith.addf %add3A_41, %exp23A_50 : vector<4096x128xf32>
    %get3A_53 = arith.constant 1280 : index
    %get3A_54 = arith.constant 0 : index
    %get3A_55 = vector.load %arg4[%get3A_53, %get3A_54] : memref<8192x256xbf16, #tpu.memory_space<vmem>>, vector<256x256xbf16>
    %dot_general3A_56 = arith.constant dense<0.000000e+00> : vector<4096x256xf32>
    %dot_general3A_57 = tpu.matmul %get3A_3, %get3A_55, %dot_general3A_56 {dimension_numbers = #tpu.dot_dimension_numbers<[1], [1], [0], [0], [0, 0, 1, 0], [], []>, transpose_lhs_hint = false} : vector<4096x256xbf16>, vector<256x256xbf16>, vector<4096x256xf32> -> vector<4096x256xf32>
    %slice3A_58 = vector.extract_strided_slice %dot_general3A_57 {offsets = [0, 0], sizes = [4096, 128], strides = [1, 1]} : vector<4096x256xf32> to vector<4096x128xf32>
    %exp23A_59 = math.exp2 %slice3A_58 : vector<4096x128xf32>
    %slice3A_60 = vector.extract_strided_slice %dot_general3A_57 {offsets = [0, 128], sizes = [4096, 128], strides = [1, 1]} : vector<4096x256xf32> to vector<4096x128xf32>
    %exp23A_61 = math.exp2 %slice3A_60 : vector<4096x128xf32>
    %add3A_62 = arith.addf %add3A_51, %exp23A_59 : vector<4096x128xf32>
    %add3A_63 = arith.addf %add3A_52, %exp23A_61 : vector<4096x128xf32>
    %get3A_64 = arith.constant 1536 : index
    %get3A_65 = arith.constant 0 : index
    %get3A_66 = vector.load %arg4[%get3A_64, %get3A_65] : memref<8192x256xbf16, #tpu.memory_space<vmem>>, vector<256x256xbf16>
    %dot_general3A_67 = arith.constant dense<0.000000e+00> : vector<4096x256xf32>
    %dot_general3A_68 = tpu.matmul %get3A_3, %get3A_66, %dot_general3A_67 {dimension_numbers = #tpu.dot_dimension_numbers<[1], [1], [0], [0], [0, 0, 1, 0], [], []>, transpose_lhs_hint = false} : vector<4096x256xbf16>, vector<256x256xbf16>, vector<4096x256xf32> -> vector<4096x256xf32>
    %slice3A_69 = vector.extract_strided_slice %dot_general3A_68 {offsets = [0, 0], sizes = [4096, 128], strides = [1, 1]} : vector<4096x256xf32> to vector<4096x128xf32>
    %exp23A_70 = math.exp2 %slice3A_69 : vector<4096x128xf32>
    %slice3A_71 = vector.extract_strided_slice %dot_general3A_68 {offsets = [0, 128], sizes = [4096, 128], strides = [1, 1]} : vector<4096x256xf32> to vector<4096x128xf32>
    %exp23A_72 = math.exp2 %slice3A_71 : vector<4096x128xf32>
    %add3A_73 = arith.addf %add3A_62, %exp23A_70 : vector<4096x128xf32>
    %add3A_74 = arith.addf %add3A_63, %exp23A_72 : vector<4096x128xf32>
    %get3A_75 = arith.constant 1792 : index
    %get3A_76 = arith.constant 0 : index
    %get3A_77 = vector.load %arg4[%get3A_75, %get3A_76] : memref<8192x256xbf16, #tpu.memory_space<vmem>>, vector<256x256xbf16>
    %dot_general3A_78 = arith.constant dense<0.000000e+00> : vector<4096x256xf32>
    %dot_general3A_79 = tpu.matmul %get3A_3, %get3A_77, %dot_general3A_78 {dimension_numbers = #tpu.dot_dimension_numbers<[1], [1], [0], [0], [0, 0, 1, 0], [], []>, transpose_lhs_hint = false} : vector<4096x256xbf16>, vector<256x256xbf16>, vector<4096x256xf32> -> vector<4096x256xf32>
    %slice3A_80 = vector.extract_strided_slice %dot_general3A_79 {offsets = [0, 0], sizes = [4096, 128], strides = [1, 1]} : vector<4096x256xf32> to vector<4096x128xf32>
    %exp23A_81 = math.exp2 %slice3A_80 : vector<4096x128xf32>
    %slice3A_82 = vector.extract_strided_slice %dot_general3A_79 {offsets = [0, 128], sizes = [4096, 128], strides = [1, 1]} : vector<4096x256xf32> to vector<4096x128xf32>
    %exp23A_83 = math.exp2 %slice3A_82 : vector<4096x128xf32>
    %add3A_84 = arith.addf %add3A_73, %exp23A_81 : vector<4096x128xf32>
    %add3A_85 = arith.addf %add3A_74, %exp23A_83 : vector<4096x128xf32>
    %get3A_86 = arith.constant 2048 : index
    %get3A_87 = arith.constant 0 : index
    %get3A_88 = vector.load %arg4[%get3A_86, %get3A_87] : memref<8192x256xbf16, #tpu.memory_space<vmem>>, vector<256x256xbf16>
    %dot_general3A_89 = arith.constant dense<0.000000e+00> : vector<4096x256xf32>
    %dot_general3A_90 = tpu.matmul %get3A_3, %get3A_88, %dot_general3A_89 {dimension_numbers = #tpu.dot_dimension_numbers<[1], [1], [0], [0], [0, 0, 1, 0], [], []>, transpose_lhs_hint = false} : vector<4096x256xbf16>, vector<256x256xbf16>, vector<4096x256xf32> -> vector<4096x256xf32>
    %slice3A_91 = vector.extract_strided_slice %dot_general3A_90 {offsets = [0, 0], sizes = [4096, 128], strides = [1, 1]} : vector<4096x256xf32> to vector<4096x128xf32>
    %exp23A_92 = math.exp2 %slice3A_91 : vector<4096x128xf32>
    %slice3A_93 = vector.extract_strided_slice %dot_general3A_90 {offsets = [0, 128], sizes = [4096, 128], strides = [1, 1]} : vector<4096x256xf32> to vector<4096x128xf32>
    %exp23A_94 = math.exp2 %slice3A_93 : vector<4096x128xf32>
    %add3A_95 = arith.addf %add3A_84, %exp23A_92 : vector<4096x128xf32>
    %add3A_96 = arith.addf %add3A_85, %exp23A_94 : vector<4096x128xf32>
    %get3A_97 = arith.constant 2304 : index
    %get3A_98 = arith.constant 0 : index
    %get3A_99 = vector.load %arg4[%get3A_97, %get3A_98] : memref<8192x256xbf16, #tpu.memory_space<vmem>>, vector<256x256xbf16>
    %dot_general3A_100 = arith.constant dense<0.000000e+00> : vector<4096x256xf32>
    %dot_general3A_101 = tpu.matmul %get3A_3, %get3A_99, %dot_general3A_100 {dimension_numbers = #tpu.dot_dimension_numbers<[1], [1], [0], [0], [0, 0, 1, 0], [], []>, transpose_lhs_hint = false} : vector<4096x256xbf16>, vector<256x256xbf16>, vector<4096x256xf32> -> vector<4096x256xf32>
    %slice3A_102 = vector.extract_strided_slice %dot_general3A_101 {offsets = [0, 0], sizes = [4096, 128], strides = [1, 1]} : vector<4096x256xf32> to vector<4096x128xf32>
    %exp23A_103 = math.exp2 %slice3A_102 : vector<4096x128xf32>
    %slice3A_104 = vector.extract_strided_slice %dot_general3A_101 {offsets = [0, 128], sizes = [4096, 128], strides = [1, 1]} : vector<4096x256xf32> to vector<4096x128xf32>
    %exp23A_105 = math.exp2 %slice3A_104 : vector<4096x128xf32>
    %add3A_106 = arith.addf %add3A_95, %exp23A_103 : vector<4096x128xf32>
    %add3A_107 = arith.addf %add3A_96, %exp23A_105 : vector<4096x128xf32>
    %get3A_108 = arith.constant 2560 : index
    %get3A_109 = arith.constant 0 : index
    %get3A_110 = vector.load %arg4[%get3A_108, %get3A_109] : memref<8192x256xbf16, #tpu.memory_space<vmem>>, vector<256x256xbf16>
    %dot_general3A_111 = arith.constant dense<0.000000e+00> : vector<4096x256xf32>
    %dot_general3A_112 = tpu.matmul %get3A_3, %get3A_110, %dot_general3A_111 {dimension_numbers = #tpu.dot_dimension_numbers<[1], [1], [0], [0], [0, 0, 1, 0], [], []>, transpose_lhs_hint = false} : vector<4096x256xbf16>, vector<256x256xbf16>, vector<4096x256xf32> -> vector<4096x256xf32>
    %slice3A_113 = vector.extract_strided_slice %dot_general3A_112 {offsets = [0, 0], sizes = [4096, 128], strides = [1, 1]} : vector<4096x256xf32> to vector<4096x128xf32>
    %exp23A_114 = math.exp2 %slice3A_113 : vector<4096x128xf32>
    %slice3A_115 = vector.extract_strided_slice %dot_general3A_112 {offsets = [0, 128], sizes = [4096, 128], strides = [1, 1]} : vector<4096x256xf32> to vector<4096x128xf32>
    %exp23A_116 = math.exp2 %slice3A_115 : vector<4096x128xf32>
    %add3A_117 = arith.addf %add3A_106, %exp23A_114 : vector<4096x128xf32>
    %add3A_118 = arith.addf %add3A_107, %exp23A_116 : vector<4096x128xf32>
    %get3A_119 = arith.constant 2816 : index
    %get3A_120 = arith.constant 0 : index
    %get3A_121 = vector.load %arg4[%get3A_119, %get3A_120] : memref<8192x256xbf16, #tpu.memory_space<vmem>>, vector<256x256xbf16>
    %dot_general3A_122 = arith.constant dense<0.000000e+00> : vector<4096x256xf32>
    %dot_general3A_123 = tpu.matmul %get3A_3, %get3A_121, %dot_general3A_122 {dimension_numbers = #tpu.dot_dimension_numbers<[1], [1], [0], [0], [0, 0, 1, 0], [], []>, transpose_lhs_hint = false} : vector<4096x256xbf16>, vector<256x256xbf16>, vector<4096x256xf32> -> vector<4096x256xf32>
    %slice3A_124 = vector.extract_strided_slice %dot_general3A_123 {offsets = [0, 0], sizes = [4096, 128], strides = [1, 1]} : vector<4096x256xf32> to vector<4096x128xf32>
    %exp23A_125 = math.exp2 %slice3A_124 : vector<4096x128xf32>
    %slice3A_126 = vector.extract_strided_slice %dot_general3A_123 {offsets = [0, 128], sizes = [4096, 128], strides = [1, 1]} : vector<4096x256xf32> to vector<4096x128xf32>
    %exp23A_127 = math.exp2 %slice3A_126 : vector<4096x128xf32>
    %add3A_128 = arith.addf %add3A_117, %exp23A_125 : vector<4096x128xf32>
    %add3A_129 = arith.addf %add3A_118, %exp23A_127 : vector<4096x128xf32>
    %get3A_130 = arith.constant 3072 : index
    %get3A_131 = arith.constant 0 : index
    %get3A_132 = vector.load %arg4[%get3A_130, %get3A_131] : memref<8192x256xbf16, #tpu.memory_space<vmem>>, vector<256x256xbf16>
    %dot_general3A_133 = arith.constant dense<0.000000e+00> : vector<4096x256xf32>
    %dot_general3A_134 = tpu.matmul %get3A_3, %get3A_132, %dot_general3A_133 {dimension_numbers = #tpu.dot_dimension_numbers<[1], [1], [0], [0], [0, 0, 1, 0], [], []>, transpose_lhs_hint = false} : vector<4096x256xbf16>, vector<256x256xbf16>, vector<4096x256xf32> -> vector<4096x256xf32>
    %slice3A_135 = vector.extract_strided_slice %dot_general3A_134 {offsets = [0, 0], sizes = [4096, 128], strides = [1, 1]} : vector<4096x256xf32> to vector<4096x128xf32>
    %exp23A_136 = math.exp2 %slice3A_135 : vector<4096x128xf32>
    %slice3A_137 = vector.extract_strided_slice %dot_general3A_134 {offsets = [0, 128], sizes = [4096, 128], strides = [1, 1]} : vector<4096x256xf32> to vector<4096x128xf32>
    %exp23A_138 = math.exp2 %slice3A_137 : vector<4096x128xf32>
    %add3A_139 = arith.addf %add3A_128, %exp23A_136 : vector<4096x128xf32>
    %add3A_140 = arith.addf %add3A_129, %exp23A_138 : vector<4096x128xf32>
    %get3A_141 = arith.constant 3328 : index
    %get3A_142 = arith.constant 0 : index
    %get3A_143 = vector.load %arg4[%get3A_141, %get3A_142] : memref<8192x256xbf16, #tpu.memory_space<vmem>>, vector<256x256xbf16>
    %dot_general3A_144 = arith.constant dense<0.000000e+00> : vector<4096x256xf32>
    %dot_general3A_145 = tpu.matmul %get3A_3, %get3A_143, %dot_general3A_144 {dimension_numbers = #tpu.dot_dimension_numbers<[1], [1], [0], [0], [0, 0, 1, 0], [], []>, transpose_lhs_hint = false} : vector<4096x256xbf16>, vector<256x256xbf16>, vector<4096x256xf32> -> vector<4096x256xf32>
    %slice3A_146 = vector.extract_strided_slice %dot_general3A_145 {offsets = [0, 0], sizes = [4096, 128], strides = [1, 1]} : vector<4096x256xf32> to vector<4096x128xf32>
    %exp23A_147 = math.exp2 %slice3A_146 : vector<4096x128xf32>
    %slice3A_148 = vector.extract_strided_slice %dot_general3A_145 {offsets = [0, 128], sizes = [4096, 128], strides = [1, 1]} : vector<4096x256xf32> to vector<4096x128xf32>
    %exp23A_149 = math.exp2 %slice3A_148 : vector<4096x128xf32>
    %add3A_150 = arith.addf %add3A_139, %exp23A_147 : vector<4096x128xf32>
    %add3A_151 = arith.addf %add3A_140, %exp23A_149 : vector<4096x128xf32>
    %get3A_152 = arith.constant 3584 : index
    %get3A_153 = arith.constant 0 : index
    %get3A_154 = vector.load %arg4[%get3A_152, %get3A_153] : memref<8192x256xbf16, #tpu.memory_space<vmem>>, vector<256x256xbf16>
    %dot_general3A_155 = arith.constant dense<0.000000e+00> : vector<4096x256xf32>
    %dot_general3A_156 = tpu.matmul %get3A_3, %get3A_154, %dot_general3A_155 {dimension_numbers = #tpu.dot_dimension_numbers<[1], [1], [0], [0], [0, 0, 1, 0], [], []>, transpose_lhs_hint = false} : vector<4096x256xbf16>, vector<256x256xbf16>, vector<4096x256xf32> -> vector<4096x256xf32>
    %slice3A_157 = vector.extract_strided_slice %dot_general3A_156 {offsets = [0, 0], sizes = [4096, 128], strides = [1, 1]} : vector<4096x256xf32> to vector<4096x128xf32>
    %exp23A_158 = math.exp2 %slice3A_157 : vector<4096x128xf32>
    %slice3A_159 = vector.extract_strided_slice %dot_general3A_156 {offsets = [0, 128], sizes = [4096, 128], strides = [1, 1]} : vector<4096x256xf32> to vector<4096x128xf32>
    %exp23A_160 = math.exp2 %slice3A_159 : vector<4096x128xf32>
    %add3A_161 = arith.addf %add3A_150, %exp23A_158 : vector<4096x128xf32>
    %add3A_162 = arith.addf %add3A_151, %exp23A_160 : vector<4096x128xf32>
    %get3A_163 = arith.constant 3840 : index
    %get3A_164 = arith.constant 0 : index
    %get3A_165 = vector.load %arg4[%get3A_163, %get3A_164] : memref<8192x256xbf16, #tpu.memory_space<vmem>>, vector<256x256xbf16>
    %dot_general3A_166 = arith.constant dense<0.000000e+00> : vector<4096x256xf32>
    %dot_general3A_167 = tpu.matmul %get3A_3, %get3A_165, %dot_general3A_166 {dimension_numbers = #tpu.dot_dimension_numbers<[1], [1], [0], [0], [0, 0, 1, 0], [], []>, transpose_lhs_hint = false} : vector<4096x256xbf16>, vector<256x256xbf16>, vector<4096x256xf32> -> vector<4096x256xf32>
    %slice3A_168 = vector.extract_strided_slice %dot_general3A_167 {offsets = [0, 0], sizes = [4096, 128], strides = [1, 1]} : vector<4096x256xf32> to vector<4096x128xf32>
    %exp23A_169 = math.exp2 %slice3A_168 : vector<4096x128xf32>
    %slice3A_170 = vector.extract_strided_slice %dot_general3A_167 {offsets = [0, 128], sizes = [4096, 128], strides = [1, 1]} : vector<4096x256xf32> to vector<4096x128xf32>
    %exp23A_171 = math.exp2 %slice3A_170 : vector<4096x128xf32>
    %add3A_172 = arith.addf %add3A_161, %exp23A_169 : vector<4096x128xf32>
    %add3A_173 = arith.addf %add3A_162, %exp23A_171 : vector<4096x128xf32>
    %get3A_174 = arith.constant 4096 : index
    %get3A_175 = arith.constant 0 : index
    %get3A_176 = vector.load %arg4[%get3A_174, %get3A_175] : memref<8192x256xbf16, #tpu.memory_space<vmem>>, vector<256x256xbf16>
    %dot_general3A_177 = arith.constant dense<0.000000e+00> : vector<4096x256xf32>
    %dot_general3A_178 = tpu.matmul %get3A_3, %get3A_176, %dot_general3A_177 {dimension_numbers = #tpu.dot_dimension_numbers<[1], [1], [0], [0], [0, 0, 1, 0], [], []>, transpose_lhs_hint = false} : vector<4096x256xbf16>, vector<256x256xbf16>, vector<4096x256xf32> -> vector<4096x256xf32>
    %slice3A_179 = vector.extract_strided_slice %dot_general3A_178 {offsets = [0, 0], sizes = [4096, 128], strides = [1, 1]} : vector<4096x256xf32> to vector<4096x128xf32>
    %exp23A_180 = math.exp2 %slice3A_179 : vector<4096x128xf32>
    %slice3A_181 = vector.extract_strided_slice %dot_general3A_178 {offsets = [0, 128], sizes = [4096, 128], strides = [1, 1]} : vector<4096x256xf32> to vector<4096x128xf32>
    %exp23A_182 = math.exp2 %slice3A_181 : vector<4096x128xf32>
    %add3A_183 = arith.addf %add3A_172, %exp23A_180 : vector<4096x128xf32>
    %add3A_184 = arith.addf %add3A_173, %exp23A_182 : vector<4096x128xf32>
    %get3A_185 = arith.constant 4352 : index
    %get3A_186 = arith.constant 0 : index
    %get3A_187 = vector.load %arg4[%get3A_185, %get3A_186] : memref<8192x256xbf16, #tpu.memory_space<vmem>>, vector<256x256xbf16>
    %dot_general3A_188 = arith.constant dense<0.000000e+00> : vector<4096x256xf32>
    %dot_general3A_189 = tpu.matmul %get3A_3, %get3A_187, %dot_general3A_188 {dimension_numbers = #tpu.dot_dimension_numbers<[1], [1], [0], [0], [0, 0, 1, 0], [], []>, transpose_lhs_hint = false} : vector<4096x256xbf16>, vector<256x256xbf16>, vector<4096x256xf32> -> vector<4096x256xf32>
    %slice3A_190 = vector.extract_strided_slice %dot_general3A_189 {offsets = [0, 0], sizes = [4096, 128], strides = [1, 1]} : vector<4096x256xf32> to vector<4096x128xf32>
    %exp23A_191 = math.exp2 %slice3A_190 : vector<4096x128xf32>
    %slice3A_192 = vector.extract_strided_slice %dot_general3A_189 {offsets = [0, 128], sizes = [4096, 128], strides = [1, 1]} : vector<4096x256xf32> to vector<4096x128xf32>
    %exp23A_193 = math.exp2 %slice3A_192 : vector<4096x128xf32>
    %add3A_194 = arith.addf %add3A_183, %exp23A_191 : vector<4096x128xf32>
    %add3A_195 = arith.addf %add3A_184, %exp23A_193 : vector<4096x128xf32>
    %get3A_196 = arith.constant 4608 : index
    %get3A_197 = arith.constant 0 : index
    %get3A_198 = vector.load %arg4[%get3A_196, %get3A_197] : memref<8192x256xbf16, #tpu.memory_space<vmem>>, vector<256x256xbf16>
    %dot_general3A_199 = arith.constant dense<0.000000e+00> : vector<4096x256xf32>
    %dot_general3A_200 = tpu.matmul %get3A_3, %get3A_198, %dot_general3A_199 {dimension_numbers = #tpu.dot_dimension_numbers<[1], [1], [0], [0], [0, 0, 1, 0], [], []>, transpose_lhs_hint = false} : vector<4096x256xbf16>, vector<256x256xbf16>, vector<4096x256xf32> -> vector<4096x256xf32>
    %slice3A_201 = vector.extract_strided_slice %dot_general3A_200 {offsets = [0, 0], sizes = [4096, 128], strides = [1, 1]} : vector<4096x256xf32> to vector<4096x128xf32>
    %exp23A_202 = math.exp2 %slice3A_201 : vector<4096x128xf32>
    %slice3A_203 = vector.extract_strided_slice %dot_general3A_200 {offsets = [0, 128], sizes = [4096, 128], strides = [1, 1]} : vector<4096x256xf32> to vector<4096x128xf32>
    %exp23A_204 = math.exp2 %slice3A_203 : vector<4096x128xf32>
    %add3A_205 = arith.addf %add3A_194, %exp23A_202 : vector<4096x128xf32>
    %add3A_206 = arith.addf %add3A_195, %exp23A_204 : vector<4096x128xf32>
    %get3A_207 = arith.constant 4864 : index
    %get3A_208 = arith.constant 0 : index
    %get3A_209 = vector.load %arg4[%get3A_207, %get3A_208] : memref<8192x256xbf16, #tpu.memory_space<vmem>>, vector<256x256xbf16>
    %dot_general3A_210 = arith.constant dense<0.000000e+00> : vector<4096x256xf32>
    %dot_general3A_211 = tpu.matmul %get3A_3, %get3A_209, %dot_general3A_210 {dimension_numbers = #tpu.dot_dimension_numbers<[1], [1], [0], [0], [0, 0, 1, 0], [], []>, transpose_lhs_hint = false} : vector<4096x256xbf16>, vector<256x256xbf16>, vector<4096x256xf32> -> vector<4096x256xf32>
    %slice3A_212 = vector.extract_strided_slice %dot_general3A_211 {offsets = [0, 0], sizes = [4096, 128], strides = [1, 1]} : vector<4096x256xf32> to vector<4096x128xf32>
    %exp23A_213 = math.exp2 %slice3A_212 : vector<4096x128xf32>
    %slice3A_214 = vector.extract_strided_slice %dot_general3A_211 {offsets = [0, 128], sizes = [4096, 128], strides = [1, 1]} : vector<4096x256xf32> to vector<4096x128xf32>
    %exp23A_215 = math.exp2 %slice3A_214 : vector<4096x128xf32>
    %add3A_216 = arith.addf %add3A_205, %exp23A_213 : vector<4096x128xf32>
    %add3A_217 = arith.addf %add3A_206, %exp23A_215 : vector<4096x128xf32>
    %get3A_218 = arith.constant 5120 : index
    %get3A_219 = arith.constant 0 : index
    %get3A_220 = vector.load %arg4[%get3A_218, %get3A_219] : memref<8192x256xbf16, #tpu.memory_space<vmem>>, vector<256x256xbf16>
    %dot_general3A_221 = arith.constant dense<0.000000e+00> : vector<4096x256xf32>
    %dot_general3A_222 = tpu.matmul %get3A_3, %get3A_220, %dot_general3A_221 {dimension_numbers = #tpu.dot_dimension_numbers<[1], [1], [0], [0], [0, 0, 1, 0], [], []>, transpose_lhs_hint = false} : vector<4096x256xbf16>, vector<256x256xbf16>, vector<4096x256xf32> -> vector<4096x256xf32>
    %slice3A_223 = vector.extract_strided_slice %dot_general3A_222 {offsets = [0, 0], sizes = [4096, 128], strides = [1, 1]} : vector<4096x256xf32> to vector<4096x128xf32>
    %exp23A_224 = math.exp2 %slice3A_223 : vector<4096x128xf32>
    %slice3A_225 = vector.extract_strided_slice %dot_general3A_222 {offsets = [0, 128], sizes = [4096, 128], strides = [1, 1]} : vector<4096x256xf32> to vector<4096x128xf32>
    %exp23A_226 = math.exp2 %slice3A_225 : vector<4096x128xf32>
    %add3A_227 = arith.addf %add3A_216, %exp23A_224 : vector<4096x128xf32>
    %add3A_228 = arith.addf %add3A_217, %exp23A_226 : vector<4096x128xf32>
    %get3A_229 = arith.constant 5376 : index
    %get3A_230 = arith.constant 0 : index
    %get3A_231 = vector.load %arg4[%get3A_229, %get3A_230] : memref<8192x256xbf16, #tpu.memory_space<vmem>>, vector<256x256xbf16>
    %dot_general3A_232 = arith.constant dense<0.000000e+00> : vector<4096x256xf32>
    %dot_general3A_233 = tpu.matmul %get3A_3, %get3A_231, %dot_general3A_232 {dimension_numbers = #tpu.dot_dimension_numbers<[1], [1], [0], [0], [0, 0, 1, 0], [], []>, transpose_lhs_hint = false} : vector<4096x256xbf16>, vector<256x256xbf16>, vector<4096x256xf32> -> vector<4096x256xf32>
    %slice3A_234 = vector.extract_strided_slice %dot_general3A_233 {offsets = [0, 0], sizes = [4096, 128], strides = [1, 1]} : vector<4096x256xf32> to vector<4096x128xf32>
    %exp23A_235 = math.exp2 %slice3A_234 : vector<4096x128xf32>
    %slice3A_236 = vector.extract_strided_slice %dot_general3A_233 {offsets = [0, 128], sizes = [4096, 128], strides = [1, 1]} : vector<4096x256xf32> to vector<4096x128xf32>
    %exp23A_237 = math.exp2 %slice3A_236 : vector<4096x128xf32>
    %add3A_238 = arith.addf %add3A_227, %exp23A_235 : vector<4096x128xf32>
    %add3A_239 = arith.addf %add3A_228, %exp23A_237 : vector<4096x128xf32>
    %get3A_240 = arith.constant 5632 : index
    %get3A_241 = arith.constant 0 : index
    %get3A_242 = vector.load %arg4[%get3A_240, %get3A_241] : memref<8192x256xbf16, #tpu.memory_space<vmem>>, vector<256x256xbf16>
    %dot_general3A_243 = arith.constant dense<0.000000e+00> : vector<4096x256xf32>
    %dot_general3A_244 = tpu.matmul %get3A_3, %get3A_242, %dot_general3A_243 {dimension_numbers = #tpu.dot_dimension_numbers<[1], [1], [0], [0], [0, 0, 1, 0], [], []>, transpose_lhs_hint = false} : vector<4096x256xbf16>, vector<256x256xbf16>, vector<4096x256xf32> -> vector<4096x256xf32>
    %slice3A_245 = vector.extract_strided_slice %dot_general3A_244 {offsets = [0, 0], sizes = [4096, 128], strides = [1, 1]} : vector<4096x256xf32> to vector<4096x128xf32>
    %exp23A_246 = math.exp2 %slice3A_245 : vector<4096x128xf32>
    %slice3A_247 = vector.extract_strided_slice %dot_general3A_244 {offsets = [0, 128], sizes = [4096, 128], strides = [1, 1]} : vector<4096x256xf32> to vector<4096x128xf32>
    %exp23A_248 = math.exp2 %slice3A_247 : vector<4096x128xf32>
    %add3A_249 = arith.addf %add3A_238, %exp23A_246 : vector<4096x128xf32>
    %add3A_250 = arith.addf %add3A_239, %exp23A_248 : vector<4096x128xf32>
    %get3A_251 = arith.constant 5888 : index
    %get3A_252 = arith.constant 0 : index
    %get3A_253 = vector.load %arg4[%get3A_251, %get3A_252] : memref<8192x256xbf16, #tpu.memory_space<vmem>>, vector<256x256xbf16>
    %dot_general3A_254 = arith.constant dense<0.000000e+00> : vector<4096x256xf32>
    %dot_general3A_255 = tpu.matmul %get3A_3, %get3A_253, %dot_general3A_254 {dimension_numbers = #tpu.dot_dimension_numbers<[1], [1], [0], [0], [0, 0, 1, 0], [], []>, transpose_lhs_hint = false} : vector<4096x256xbf16>, vector<256x256xbf16>, vector<4096x256xf32> -> vector<4096x256xf32>
    %slice3A_256 = vector.extract_strided_slice %dot_general3A_255 {offsets = [0, 0], sizes = [4096, 128], strides = [1, 1]} : vector<4096x256xf32> to vector<4096x128xf32>
    %exp23A_257 = math.exp2 %slice3A_256 : vector<4096x128xf32>
    %slice3A_258 = vector.extract_strided_slice %dot_general3A_255 {offsets = [0, 128], sizes = [4096, 128], strides = [1, 1]} : vector<4096x256xf32> to vector<4096x128xf32>
    %exp23A_259 = math.exp2 %slice3A_258 : vector<4096x128xf32>
    %add3A_260 = arith.addf %add3A_249, %exp23A_257 : vector<4096x128xf32>
    %add3A_261 = arith.addf %add3A_250, %exp23A_259 : vector<4096x128xf32>
    %get3A_262 = arith.constant 6144 : index
    %get3A_263 = arith.constant 0 : index
    %get3A_264 = vector.load %arg4[%get3A_262, %get3A_263] : memref<8192x256xbf16, #tpu.memory_space<vmem>>, vector<256x256xbf16>
    %dot_general3A_265 = arith.constant dense<0.000000e+00> : vector<4096x256xf32>
    %dot_general3A_266 = tpu.matmul %get3A_3, %get3A_264, %dot_general3A_265 {dimension_numbers = #tpu.dot_dimension_numbers<[1], [1], [0], [0], [0, 0, 1, 0], [], []>, transpose_lhs_hint = false} : vector<4096x256xbf16>, vector<256x256xbf16>, vector<4096x256xf32> -> vector<4096x256xf32>
    %slice3A_267 = vector.extract_strided_slice %dot_general3A_266 {offsets = [0, 0], sizes = [4096, 128], strides = [1, 1]} : vector<4096x256xf32> to vector<4096x128xf32>
    %exp23A_268 = math.exp2 %slice3A_267 : vector<4096x128xf32>
    %slice3A_269 = vector.extract_strided_slice %dot_general3A_266 {offsets = [0, 128], sizes = [4096, 128], strides = [1, 1]} : vector<4096x256xf32> to vector<4096x128xf32>
    %exp23A_270 = math.exp2 %slice3A_269 : vector<4096x128xf32>
    %add3A_271 = arith.addf %add3A_260, %exp23A_268 : vector<4096x128xf32>
    %add3A_272 = arith.addf %add3A_261, %exp23A_270 : vector<4096x128xf32>
    %get3A_273 = arith.constant 6400 : index
    %get3A_274 = arith.constant 0 : index
    %get3A_275 = vector.load %arg4[%get3A_273, %get3A_274] : memref<8192x256xbf16, #tpu.memory_space<vmem>>, vector<256x256xbf16>
    %dot_general3A_276 = arith.constant dense<0.000000e+00> : vector<4096x256xf32>
    %dot_general3A_277 = tpu.matmul %get3A_3, %get3A_275, %dot_general3A_276 {dimension_numbers = #tpu.dot_dimension_numbers<[1], [1], [0], [0], [0, 0, 1, 0], [], []>, transpose_lhs_hint = false} : vector<4096x256xbf16>, vector<256x256xbf16>, vector<4096x256xf32> -> vector<4096x256xf32>
    %slice3A_278 = vector.extract_strided_slice %dot_general3A_277 {offsets = [0, 0], sizes = [4096, 128], strides = [1, 1]} : vector<4096x256xf32> to vector<4096x128xf32>
    %exp23A_279 = math.exp2 %slice3A_278 : vector<4096x128xf32>
    %slice3A_280 = vector.extract_strided_slice %dot_general3A_277 {offsets = [0, 128], sizes = [4096, 128], strides = [1, 1]} : vector<4096x256xf32> to vector<4096x128xf32>
    %exp23A_281 = math.exp2 %slice3A_280 : vector<4096x128xf32>
    %add3A_282 = arith.addf %add3A_271, %exp23A_279 : vector<4096x128xf32>
    %add3A_283 = arith.addf %add3A_272, %exp23A_281 : vector<4096x128xf32>
    %get3A_284 = arith.constant 6656 : index
    %get3A_285 = arith.constant 0 : index
    %get3A_286 = vector.load %arg4[%get3A_284, %get3A_285] : memref<8192x256xbf16, #tpu.memory_space<vmem>>, vector<256x256xbf16>
    %dot_general3A_287 = arith.constant dense<0.000000e+00> : vector<4096x256xf32>
    %dot_general3A_288 = tpu.matmul %get3A_3, %get3A_286, %dot_general3A_287 {dimension_numbers = #tpu.dot_dimension_numbers<[1], [1], [0], [0], [0, 0, 1, 0], [], []>, transpose_lhs_hint = false} : vector<4096x256xbf16>, vector<256x256xbf16>, vector<4096x256xf32> -> vector<4096x256xf32>
    %slice3A_289 = vector.extract_strided_slice %dot_general3A_288 {offsets = [0, 0], sizes = [4096, 128], strides = [1, 1]} : vector<4096x256xf32> to vector<4096x128xf32>
    %exp23A_290 = math.exp2 %slice3A_289 : vector<4096x128xf32>
    %slice3A_291 = vector.extract_strided_slice %dot_general3A_288 {offsets = [0, 128], sizes = [4096, 128], strides = [1, 1]} : vector<4096x256xf32> to vector<4096x128xf32>
    %exp23A_292 = math.exp2 %slice3A_291 : vector<4096x128xf32>
    %add3A_293 = arith.addf %add3A_282, %exp23A_290 : vector<4096x128xf32>
    %add3A_294 = arith.addf %add3A_283, %exp23A_292 : vector<4096x128xf32>
    %get3A_295 = arith.constant 6912 : index
    %get3A_296 = arith.constant 0 : index
    %get3A_297 = vector.load %arg4[%get3A_295, %get3A_296] : memref<8192x256xbf16, #tpu.memory_space<vmem>>, vector<256x256xbf16>
    %dot_general3A_298 = arith.constant dense<0.000000e+00> : vector<4096x256xf32>
    %dot_general3A_299 = tpu.matmul %get3A_3, %get3A_297, %dot_general3A_298 {dimension_numbers = #tpu.dot_dimension_numbers<[1], [1], [0], [0], [0, 0, 1, 0], [], []>, transpose_lhs_hint = false} : vector<4096x256xbf16>, vector<256x256xbf16>, vector<4096x256xf32> -> vector<4096x256xf32>
    %slice3A_300 = vector.extract_strided_slice %dot_general3A_299 {offsets = [0, 0], sizes = [4096, 128], strides = [1, 1]} : vector<4096x256xf32> to vector<4096x128xf32>
    %exp23A_301 = math.exp2 %slice3A_300 : vector<4096x128xf32>
    %slice3A_302 = vector.extract_strided_slice %dot_general3A_299 {offsets = [0, 128], sizes = [4096, 128], strides = [1, 1]} : vector<4096x256xf32> to vector<4096x128xf32>
    %exp23A_303 = math.exp2 %slice3A_302 : vector<4096x128xf32>
    %add3A_304 = arith.addf %add3A_293, %exp23A_301 : vector<4096x128xf32>
    %add3A_305 = arith.addf %add3A_294, %exp23A_303 : vector<4096x128xf32>
    %get3A_306 = arith.constant 7168 : index
    %get3A_307 = arith.constant 0 : index
    %get3A_308 = vector.load %arg4[%get3A_306, %get3A_307] : memref<8192x256xbf16, #tpu.memory_space<vmem>>, vector<256x256xbf16>
    %dot_general3A_309 = arith.constant dense<0.000000e+00> : vector<4096x256xf32>
    %dot_general3A_310 = tpu.matmul %get3A_3, %get3A_308, %dot_general3A_309 {dimension_numbers = #tpu.dot_dimension_numbers<[1], [1], [0], [0], [0, 0, 1, 0], [], []>, transpose_lhs_hint = false} : vector<4096x256xbf16>, vector<256x256xbf16>, vector<4096x256xf32> -> vector<4096x256xf32>
    %slice3A_311 = vector.extract_strided_slice %dot_general3A_310 {offsets = [0, 0], sizes = [4096, 128], strides = [1, 1]} : vector<4096x256xf32> to vector<4096x128xf32>
    %exp23A_312 = math.exp2 %slice3A_311 : vector<4096x128xf32>
    %slice3A_313 = vector.extract_strided_slice %dot_general3A_310 {offsets = [0, 128], sizes = [4096, 128], strides = [1, 1]} : vector<4096x256xf32> to vector<4096x128xf32>
    %exp23A_314 = math.exp2 %slice3A_313 : vector<4096x128xf32>
    %add3A_315 = arith.addf %add3A_304, %exp23A_312 : vector<4096x128xf32>
    %add3A_316 = arith.addf %add3A_305, %exp23A_314 : vector<4096x128xf32>
    %get3A_317 = arith.constant 7424 : index
    %get3A_318 = arith.constant 0 : index
    %get3A_319 = vector.load %arg4[%get3A_317, %get3A_318] : memref<8192x256xbf16, #tpu.memory_space<vmem>>, vector<256x256xbf16>
    %dot_general3A_320 = arith.constant dense<0.000000e+00> : vector<4096x256xf32>
    %dot_general3A_321 = tpu.matmul %get3A_3, %get3A_319, %dot_general3A_320 {dimension_numbers = #tpu.dot_dimension_numbers<[1], [1], [0], [0], [0, 0, 1, 0], [], []>, transpose_lhs_hint = false} : vector<4096x256xbf16>, vector<256x256xbf16>, vector<4096x256xf32> -> vector<4096x256xf32>
    %slice3A_322 = vector.extract_strided_slice %dot_general3A_321 {offsets = [0, 0], sizes = [4096, 128], strides = [1, 1]} : vector<4096x256xf32> to vector<4096x128xf32>
    %exp23A_323 = math.exp2 %slice3A_322 : vector<4096x128xf32>
    %slice3A_324 = vector.extract_strided_slice %dot_general3A_321 {offsets = [0, 128], sizes = [4096, 128], strides = [1, 1]} : vector<4096x256xf32> to vector<4096x128xf32>
    %exp23A_325 = math.exp2 %slice3A_324 : vector<4096x128xf32>
    %add3A_326 = arith.addf %add3A_315, %exp23A_323 : vector<4096x128xf32>
    %add3A_327 = arith.addf %add3A_316, %exp23A_325 : vector<4096x128xf32>
    %get3A_328 = arith.constant 7680 : index
    %get3A_329 = arith.constant 0 : index
    %get3A_330 = vector.load %arg4[%get3A_328, %get3A_329] : memref<8192x256xbf16, #tpu.memory_space<vmem>>, vector<256x256xbf16>
    %dot_general3A_331 = arith.constant dense<0.000000e+00> : vector<4096x256xf32>
    %dot_general3A_332 = tpu.matmul %get3A_3, %get3A_330, %dot_general3A_331 {dimension_numbers = #tpu.dot_dimension_numbers<[1], [1], [0], [0], [0, 0, 1, 0], [], []>, transpose_lhs_hint = false} : vector<4096x256xbf16>, vector<256x256xbf16>, vector<4096x256xf32> -> vector<4096x256xf32>
    %slice3A_333 = vector.extract_strided_slice %dot_general3A_332 {offsets = [0, 0], sizes = [4096, 128], strides = [1, 1]} : vector<4096x256xf32> to vector<4096x128xf32>
    %exp23A_334 = math.exp2 %slice3A_333 : vector<4096x128xf32>
    %slice3A_335 = vector.extract_strided_slice %dot_general3A_332 {offsets = [0, 128], sizes = [4096, 128], strides = [1, 1]} : vector<4096x256xf32> to vector<4096x128xf32>
    %exp23A_336 = math.exp2 %slice3A_335 : vector<4096x128xf32>
    %add3A_337 = arith.addf %add3A_326, %exp23A_334 : vector<4096x128xf32>
    %add3A_338 = arith.addf %add3A_327, %exp23A_336 : vector<4096x128xf32>
    %get3A_339 = arith.constant 7936 : index
    %get3A_340 = arith.constant 0 : index
    %get3A_341 = vector.load %arg4[%get3A_339, %get3A_340] : memref<8192x256xbf16, #tpu.memory_space<vmem>>, vector<256x256xbf16>
    %dot_general3A_342 = arith.constant dense<0.000000e+00> : vector<4096x256xf32>
    %dot_general3A_343 = tpu.matmul %get3A_3, %get3A_341, %dot_general3A_342 {dimension_numbers = #tpu.dot_dimension_numbers<[1], [1], [0], [0], [0, 0, 1, 0], [], []>, transpose_lhs_hint = false} : vector<4096x256xbf16>, vector<256x256xbf16>, vector<4096x256xf32> -> vector<4096x256xf32>
    %slice3A_344 = vector.extract_strided_slice %dot_general3A_343 {offsets = [0, 0], sizes = [4096, 128], strides = [1, 1]} : vector<4096x256xf32> to vector<4096x128xf32>
    %exp23A_345 = math.exp2 %slice3A_344 : vector<4096x128xf32>
    %slice3A_346 = vector.extract_strided_slice %dot_general3A_343 {offsets = [0, 128], sizes = [4096, 128], strides = [1, 1]} : vector<4096x256xf32> to vector<4096x128xf32>
    %exp23A_347 = math.exp2 %slice3A_346 : vector<4096x128xf32>
    %add3A_348 = arith.addf %add3A_337, %exp23A_345 : vector<4096x128xf32>
    %add3A_349 = arith.addf %add3A_338, %exp23A_347 : vector<4096x128xf32>
    %get3A_350 = arith.constant 0 : index
    %get3A_351 = arith.constant 0 : index
    %get3A_352 = vector.load %arg8[%get3A_350, %get3A_351] : memref<4096x128xf32, #tpu.memory_space<vmem>>, vector<4096x128xf32>
    %add3A_353 = arith.addf %add3A_348, %add3A_349 : vector<4096x128xf32>
    %add3A_354 = arith.addf %get3A_352, %add3A_353 : vector<4096x128xf32>
    %swap3A = arith.constant 0 : index
    %swap3A_355 = arith.constant 0 : index
    %swap3A_356 = vector.load %arg8[%swap3A, %swap3A_355] : memref<4096x128xf32, #tpu.memory_space<vmem>>, vector<4096x128xf32>
    tpu.vector_store %arg8[%swap3A, %swap3A_355], %add3A_354 {strides = array<i32>} : memref<4096x128xf32, #tpu.memory_space<vmem>>, vector<4096x128xf32>,
    %eq3A_357 = arith.constant 0 : i32
    %eq3A_358 = arith.cmpi eq, %arg1, %eq3A_357 : i32
    %convert_element_type3A_359 = arith.extui %eq3A_358 : i1 to i32
    %cond3A_360 = arith.constant 0 : i32
    %cond3A_361 = arith.cmpi ne, %convert_element_type3A_359, %cond3A_360 : i32
    scf.if %cond3A_361 {
      %get3A_362 = arith.constant 0 : index
      %get3A_363 = arith.constant 0 : index
      %get3A_364 = vector.load %arg8[%get3A_362, %get3A_363] : memref<4096x128xf32, #tpu.memory_space<vmem>>, vector<4096x128xf32>
      %reduce_sum3A = arith.constant dense<0.000000e+00> : vector<4096xf32>
      %reduce_sum3A_365 = vector.multi_reduction <add>, %get3A_364, %reduce_sum3A [1] : vector<4096x128xf32> to vector<4096xf32>
      %broadcast_in_dim3A = vector.shape_cast %reduce_sum3A_365 : vector<4096xf32> to vector<4096x1xf32>
      %get3A_366 = arith.constant 0 : index
      %get3A_367 = arith.constant 0 : index
      %get3A_368 = vector.load %arg7[%get3A_366, %get3A_367] : memref<4096x1xf32, #tpu.memory_space<vmem>>, vector<4096x1xf32>
      %exp23A_369 = math.exp2 %get3A_368 : vector<4096x1xf32>
      %sub3A = arith.subf %broadcast_in_dim3A, %exp23A_369 : vector<4096x1xf32>
      %log3A = math.log %sub3A : vector<4096x1xf32>
      %mul3A = arith.constant 0.693147182 : f32
      %mul3A_370 = vector.broadcast %mul3A : f32 to vector<4096x1xf32>
      %mul3A_371 = arith.mulf %get3A_368, %mul3A_370 : vector<4096x1xf32>
      %sub3A_372 = arith.subf %log3A, %mul3A_371 : vector<4096x1xf32>
      %reduce_sum3A_373 = arith.constant dense<0.000000e+00> : vector<1xf32>
      %reduce_sum3A_374 = vector.multi_reduction <add>, %sub3A_372, %reduce_sum3A_373 [0] : vector<4096x1xf32> to vector<1xf32>
      %broadcast_in_dim3A_375 = vector.shape_cast %reduce_sum3A_374 : vector<1xf32> to vector<1x1xf32>
      %eq3A_376 = arith.constant 0 : i32
      %eq3A_377 = arith.cmpi eq, %arg0, %eq3A_376 : i32
      %convert_element_type3A_378 = arith.extui %eq3A_377 : i1 to i32
      %cond3A_379 = arith.constant 0 : i32
      %cond3A_380 = arith.cmpi ne, %convert_element_type3A_378, %cond3A_379 : i32
      scf.if %cond3A_380 {
        %swap3A_385 = arith.constant 0 : index
        %swap3A_386 = arith.constant 0 : index
        %swap3A_387 = vector.load %arg5[%swap3A_385, %swap3A_386] : memref<1x1xf32, #tpu.memory_space<vmem>>, vector<1x1xf32>
        tpu.vector_store %arg5[%swap3A_385, %swap3A_386], %broadcast_in_dim3A_375 {strides = array<i32>} : memref<1x1xf32, #tpu.memory_space<vmem>>, vector<1x1xf32>,
      } else {
      }
      %gt3A = arith.constant 0 : i32
      %gt3A_381 = arith.cmpi sgt, %arg0, %gt3A : i32
      %convert_element_type3A_382 = arith.extui %gt3A_381 : i1 to i32
      %cond3A_383 = arith.constant 0 : i32
      %cond3A_384 = arith.cmpi ne, %convert_element_type3A_382, %cond3A_383 : i32
      scf.if %cond3A_384 {
        %get3A_385 = arith.constant 0 : index
        %get3A_386 = arith.constant 0 : index
        %get3A_387 = vector.load %arg5[%get3A_385, %get3A_386] : memref<1x1xf32, #tpu.memory_space<vmem>>, vector<1x1xf32>
        %add3A_388 = arith.addf %get3A_387, %broadcast_in_dim3A_375 : vector<1x1xf32>
        %swap3A_389 = arith.constant 0 : index
        %swap3A_390 = arith.constant 0 : index
        %swap3A_391 = vector.load %arg5[%swap3A_389, %swap3A_390] : memref<1x1xf32, #tpu.memory_space<vmem>>, vector<1x1xf32>
        tpu.vector_store %arg5[%swap3A_389, %swap3A_390], %add3A_388 {strides = array<i32>} : memref<1x1xf32, #tpu.memory_space<vmem>>, vector<1x1xf32>,
      } else {
      }
    } else {
    }
    return
  }
  func.func @transform_0(%arg0: i32, %arg1: i32) -> (i32, i32) {
    %c0_i32 = arith.constant 0 : i32
    %c0_i32_0 = arith.constant 0 : i32
    return %arg0, %c0_i32 : i32, i32
  }
  func.func @transform_1(%arg0: i32, %arg1: i32) -> (i32, i32) {
    %c0_i32 = arith.constant 0 : i32
    %c0_i32_0 = arith.constant 0 : i32
    return %arg0, %c0_i32 : i32, i32
  }
  func.func @transform_2(%arg0: i32, %arg1: i32) -> (i32, i32) {
    %c0_i32 = arith.constant 0 : i32
    %c0_i32_0 = arith.constant 0 : i32
    return %arg1, %c0_i32 : i32, i32
  }
  func.func @transform_3(%arg0: i32, %arg1: i32) -> (i32, i32) {
    %c0_i32 = arith.constant 0 : i32
    %c0_i32_0 = arith.constant 0 : i32
    %c0_i32_1 = arith.constant 0 : i32
    return %c0_i32, %c0_i32_0 : i32, i32
  }
}

module attributes {stable_mosaic.version = 14 : i64} {
  func.func @_norm_body(%arg0: i32, %arg1: memref<1024x256xf32, #tpu.memory_space<vmem>>, %arg2: memref<1024x256xbf16, #tpu.memory_space<vmem>>) attributes {dimension_semantics = [#tpu.dimension_semantics<arbitrary>], iteration_bounds = array<i64: 8>, scalar_prefetch = 0 : i64, scratch_operands = 0 : i64, tpu.core_type = #tpu.core_type<tc>, window_params = [{transform_indices = @transform_0, window_bounds = array<i64: 1024, 256>}, {transform_indices = @transform_1, window_bounds = array<i64: 1024, 256>}]} {
    %get3A = arith.constant 0 : index
    %get3A_0 = arith.constant 0 : index
    %get3A_1 = vector.load %arg1[%get3A, %get3A_0] : memref<1024x256xf32, #tpu.memory_space<vmem>>, vector<1024x256xf32>
    %mul3A = arith.mulf %get3A_1, %get3A_1 : vector<1024x256xf32>
    %reduce_sum3A = arith.constant dense<0.000000e+00> : vector<1024xf32>
    %reduce_sum3A_2 = vector.multi_reduction <add>, %mul3A, %reduce_sum3A [1] : vector<1024x256xf32> to vector<1024xf32>
    %broadcast_in_dim3A = vector.shape_cast %reduce_sum3A_2 : vector<1024xf32> to vector<1024x1xf32>
    %sqrt3A = math.sqrt %broadcast_in_dim3A : vector<1024x1xf32>
    %max3A = arith.constant 9.99999996E-13 : f32
    %max3A_3 = vector.broadcast %max3A : f32 to vector<1024x1xf32>
    %max3A_4 = arith.maximumf %sqrt3A, %max3A_3 : vector<1024x1xf32>
    %div3A = vector.broadcast %max3A_4 : vector<1024x1xf32> to vector<1024x256xf32>
    %div3A_5 = arith.divf %get3A_1, %div3A : vector<1024x256xf32>
    %convert_element_type3A = arith.truncf %div3A_5 : vector<1024x256xf32> to vector<1024x256xbf16>
    %swap3A = arith.constant 0 : index
    %swap3A_6 = arith.constant 0 : index
    %swap3A_7 = vector.load %arg2[%swap3A, %swap3A_6] : memref<1024x256xbf16, #tpu.memory_space<vmem>>, vector<1024x256xbf16>
    tpu.vector_store %arg2[%swap3A, %swap3A_6], %convert_element_type3A {strides = array<i32>} : memref<1024x256xbf16, #tpu.memory_space<vmem>>, vector<1024x256xbf16>,
    return
  }
  func.func @transform_0(%arg0: i32) -> (i32, i32) {
    %c0_i32 = arith.constant 0 : i32
    %c0_i32_0 = arith.constant 0 : i32
    return %arg0, %c0_i32 : i32, i32
  }
  func.func @transform_1(%arg0: i32) -> (i32, i32) {
    %c0_i32 = arith.constant 0 : i32
    %c0_i32_0 = arith.constant 0 : i32
    return %arg0, %c0_i32 : i32, i32
  }
}

</mosaic_0001>

<sc_bundles>
// kernel: kernel.5.cloned.1.call-start
scs
__scs_entry_jumppad:
0x0: {  	(pc) =	sbr.rel $0x88, $3  }
0x1: {  	(tag) =	ssettag $0x0;
	lr =	simm.s32 $0x1  }
0x2: {  	[smem:$0x3F9E] =	sst lr;
	_ =	strace $0xD0000000  }
0x3: {  	_ = 	snop  }
0x4: {  	_ = 	snop  }
0x5: {  	_ = 	snop  }
0x6: {  	_ = 	snop  }
0x7: {  	_ = 	snop  }
__scs_overlays_trampoline_lowered:
0x8: {  	[smem:$0x3FAD] =	sst s0  }
0x9: {  	[smem:$0x3FAE] =	sst s1  }
0xa: {  	[smem:$0x3FAF] =	sst s2  }
0xb: {  	[smem:$0x3FB0] =	sst s3  }
0xc: {  	[smem:$0x3FB1] =	sst s4  }
0xd: {  	[smem:$0x3FB2] =	sst s5  }
0xe: {  	[smem:$0x3FB3] =	sst s6  }
0xf: {  	[smem:$0x3FB4] =	sst s7  }
0x10: {  	[smem:$0x3FB5] =	sst s8  }
0x11: {  	[smem:$0x3FB6] =	sst s9;
	s0 =	simm.s32 @!p0 $0x0  }
0x12: {  	s1 =	sld [smem:$0x3F9C];
	s0 =	simm.s32 @p0 $0x1  }
0x13: {  	[smem:$0x3FB7] =	sst s0;
	s0 =	simm.s32 @!p1 $0x0  }
0x14: {  	s2 =	sld [smem:$0x3F9B];
	s0 =	simm.s32 @p1 $0x1  }
0x15: {  	[smem:$0x3FB8] =	sst s0;
	s0 =	simm.s32 @!p2 $0x0  }
0x16: {  	s3 =	sld [smem:$0x3FDB];
	s0 =	simm.s32 @p2 $0x1  }
0x17: {  	s4 =	simm.s32 $0x1BF5;
	[smem:$0x3FBA] =	sst s0  }
0x18: {  	s0 =	sld [smem:$0x3F9D];
	_ =	swait.ge [sflag:s4], $0x0  }
0x19: {  	s7 =	sld [smem:$0x3F9E]  }
0x1a: {  	s8 =	sadd.s32 $0xFFFFE003, lr  }
0x1b: {  	s9 =	sadd.s32 $0xFFFFFEF7, lr;
	s5 =	simm.s32 $0xFFFFFFFF;
	p2 =	slt.u32 s8, $0xFFFFF086  }
0x1c: {  	p1 =	slt.u32 s9, $0xF7A;
	s5 =	simm.s32 @!p2 $0x0  }
0x1d: {  	s5 =	simm.s32 @p1 $0x1;
	p0 =	seq.s32 s7, s2  }
0x1e: {  	s7 =	smul.u32 @!p0 $0xF7A, s2;
	p2 =	seq.s32 @!p0 s5, $0x0  }
0x1f: {  	s9 =	smul.u32 $0xF7A, s1;
	s8 =	simm.s32 @!p0 $0x1BF5;
	p2 =	por !p2, p0  }
0x20: {  	[sflag:s8] =	ssyncset.s32 @!p0 $0xFFFFF086;
	s6 =	sadd.s32 @!p0 s3, s7;
	s7 =	simm.s32 @!p0 $0x108  }
0x21: {  	s3 =	sadd.s32 s3, s9;
	s6 =	sadd.s32 @!p0 $0x88, s6;
	s7 =	simm.s32 @p2 $0x1082  }
0x22: {  	[simem:s7], [sflag:s8] =	dma.local @!p0 [hbm:s6], $0xF7A  }
0x23: {  	s9 =	sor.u32 $0xD0000000, s2;
	s6 =	simm.s32 $0x108;
	_ =	swait.ge @!p0 [sflag:s8], $0x0  }
0x24: {  	s3 =	sadd.s32 $0x88, s3;
	s6 =	simm.s32 @!p1 $0x1082;
	[sflag:s4] =	ssyncset.s32 $0xFFFFF086  }
0x25: {  	[simem:s6], [sflag:s4] =	dma.local [hbm:s3], $0xF7A  }
0x26: {  	[smem:$0x3F9E] =	sst s1;
	(tag) =	ssettag s2;
	_ =	strace s9  }
0x27: {  	s1 =	sld [smem:$0x3FAE]  }
0x28: {  	s2 =	sld [smem:$0x3FAF]  }
0x29: {  	s4 =	sld [smem:$0x3FB1]  }
0x2a: {  	p0 =	seq.s32 s5, $0x0;
	s5 =	sld [smem:$0x3FB2]  }
0x2b: {  	s6 =	sld [smem:$0x3FB3]  }
0x2c: {  	s7 =	sld [smem:$0x3FB4]  }
0x2d: {  	s3 =	simm.s32 $0x108;
	s8 =	sld [smem:$0x3FB5]  }
0x2e: {  	s3 =	simm.s32 @!p0 $0x1082;
	s9 =	sld [smem:$0x3FB6]  }
0x2f: {  	lr =	sadd.s32 s0, s3;
	s0 =	sld [smem:$0x3FAD]  }
0x30: {  	s3 =	sld [smem:$0x3FB0]  }
0x31: {  	[smem:$0x3FB9] =	sst s10  }
0x32: {  	s10 =	sld [smem:$0x3FB7];
	_ =	sdelay $0x3  }
0x33: {  	p0 =	seq.s32 s10, $0x1;
	s10 =	sld [smem:$0x3FB9];
	_ =	sdelay $0x3  }
0x34: {  	[smem:$0x3FB9] =	sst s10  }
0x35: {  	s10 =	sld [smem:$0x3FB8];
	_ =	sdelay $0x3  }
0x36: {  	p1 =	seq.s32 s10, $0x1;
	s10 =	sld [smem:$0x3FB9];
	_ =	sdelay $0x3  }
0x37: {  	[smem:$0x3FB9] =	sst s10  }
0x38: {  	s10 =	sld [smem:$0x3FBA]  }
0x39: {  	_ = 	snop;
	(pc) =	sbr.ind lr, $3  }
0x3a: {  	_ = 	snop  }
0x3b: {  	_ = 	snop  }
0x3c: {  	p2 =	seq.s32 s10, $0x1;
	s10 =	sld [smem:$0x3FB9]  }
0x3d: {  	_ =	shalt  }
0x3e: {  	_ =	shalt  }
0x3f: {  	_ =	shalt  }
0x40: {  	_ =	shalt  }
0x41: {  	_ =	shalt  }
0x42: {  	_ =	shalt  }
0x43: {  	_ =	shalt  }
0x44: {  	_ =	shalt  }
0x45: {  	_ =	shalt  }
0x46: {  	_ =	shalt  }
0x47: {  	_ =	shalt  }
0x48: {  	_ =	shalt  }
0x49: {  	_ =	shalt  }
0x4a: {  	_ =	shalt  }
0x4b: {  	_ =	shalt  }
0x4c: {  	_ =	shalt  }
0x4d: {  	_ =	shalt  }
0x4e: {  	_ =	shalt  }
0x4f: {  	_ =	shalt  }
0x50: {  	_ =	shalt  }
0x51: {  	_ =	shalt  }
0x52: {  	_ =	shalt  }
0x53: {  	_ =	shalt  }
0x54: {  	_ =	shalt  }
0x55: {  	_ =	shalt  }
0x56: {  	_ =	shalt  }
0x57: {  	_ =	shalt  }
0x58: {  	_ =	shalt  }
0x59: {  	_ =	shalt  }
0x5a: {  	_ =	shalt  }
0x5b: {  	_ =	shalt  }
0x5c: {  	_ =	shalt  }
0x5d: {  	_ =	shalt  }
0x5e: {  	_ =	shalt  }
0x5f: {  	_ =	shalt  }
0x60: {  	_ =	shalt  }
0x61: {  	_ =	shalt  }
0x62: {  	_ =	shalt  }
0x63: {  	_ =	shalt  }
0x64: {  	_ =	shalt  }
0x65: {  	_ =	shalt  }
0x66: {  	_ =	shalt  }
0x67: {  	_ =	shalt  }
0x68: {  	_ =	shalt  }
0x69: {  	_ =	shalt  }
0x6a: {  	_ =	shalt  }
0x6b: {  	_ =	shalt  }
0x6c: {  	_ =	shalt  }
0x6d: {  	_ =	shalt  }
0x6e: {  	_ =	shalt  }
0x6f: {  	_ =	shalt  }
0x70: {  	_ =	shalt  }
0x71: {  	_ =	shalt  }
0x72: {  	_ =	shalt  }
0x73: {  	_ =	shalt  }
0x74: {  	_ =	shalt  }
0x75: {  	_ =	shalt  }
0x76: {  	_ =	shalt  }
0x77: {  	_ =	shalt  }
0x78: {  	_ =	shalt  }
0x79: {  	_ =	shalt  }
0x7a: {  	_ =	shalt  }
0x7b: {  	_ =	shalt  }
0x7c: {  	_ =	shalt  }
0x7d: {  	_ =	shalt  }
0x7e: {  	_ =	shalt  }
0x7f: {  	_ =	shalt  }
0x80: {  	_ =	shalt  }
0x81: {  	_ =	shalt  }
0x82: {  	_ =	shalt  }
0x83: {  	_ =	shalt  }
0x84: {  	_ =	shalt  }
0x85: {  	_ =	shalt  }
0x86: {  	_ =	shalt  }
0x87: {  	_ =	shalt  }
.Lfunc_end0:
.L_simem_size_0:
called_computation_lowered:
.L_overlay_start_0:
0x88: {  	s2 =	sld [smem:$0x3FD9]  }
0x89: {  	s3 =	sld [smem:$0x3FFE];
	_ =	sdelay $0x1  }
0x8a: {  	s1 =	srdreg.scid  }
0x8b: {  	s0 =	sand.u32 $0x1, s1  }
0x8c: {  	s17 =	sshll.u32 s0, $0xA;
	s2 =	sadd.s32 s3, s2  }
0x8d: {  	s2 =	sadd.s32 s2, s17  }
0x8e: {  	[smem:$0x3FC5] =	sst s2  }
0x8f: {  	_ = 	snop  }
0x90: {  	s2 =	sld [smem:$0x3FC8]  }
0x91: {  	s18 =	sld [smem:$0x3FC7];
	(tm) =	ssettm $0x1  }
0x92: {  	s4 =	sld [smem:$0x3FFB];
	_ =	sdelay $0x3  }
0x93: {  	_ =	strace s4  }
0x94: {  	s4 =	sld [smem:$0x3FFC];
	_ =	sdelay $0x3  }
0x95: {  	_ =	strace s4  }
0x96: {  	s4 =	sld [smem:$0x3FFD];
	_ =	sdelay $0x3  }
0x97: {  	_ =	strace s4  }
0x98: {  	_ =	strace $0x8FFFFFFF  }
0x99: {  	s19 =	sld [smem:$0x3FDB];
	_ =	sdelay $0x1  }
0x9a: {  	s5 =	simm.s32 $_scs_section_size  }
0x9b: {  	s6 =	simm.s32 $_size__tile_overlayer_lowered;
	s7 =	simm.s32 $_tile_overlayer_lowered  }
0x9c: {  	s22 =	simm.s32 $0x1BFF;
	s21 =	sshll.u32 s7, $0x1;
	s4 =	sadd.s32 s5, s19  }
0x9d: {  	s8 =	simm.s32 $0x0;
	s20 =	sshll.u32 s6, $0x1;
	s6 =	sadd.s32 s21, s4  }
0x9e: {  	[timem:s8], [sflag:s22] =	dma.local [hbm:s6], s20  }
0x9f: {  	_ =	swait.ge [sflag:s22], s20  }
0xa0: {  	s5 =	ssub.s32 $0x0, s20;
	[sflag:s22] =	ssyncset.done $0x0  }
0xa1: {  	[sflag:s22] =	ssyncadd.s32 s5;
	_ =	sdelay $0x1  }
0xa2: {  	s23 =	simm.s32 $0x1B8B  }
0xa3: {  	_ =	swait.ge [sflag:s23], $0x1  }
0xa4: {  	[sflag:s23] =	ssyncset.done $0x0  }
0xa5: {  	s25 =	simm.s32 $0x1B8E;
	s24 =	sld [smem:$0x3FFE];
	[sflag:s23] =	ssyncadd.s32 $0xFFFFFFFF  }
0xa6: {  	s26 =	simm.s32 $execute0_lowered;
	[smem:$0x3FD2] =	sst s25  }
0xa7: {  	s6 =	sshll.u32 s26, $0x1;
	_ =	strace $0x80000046;
	[dreg:$0x1] =	wrdreg $0xFFFFFFFF  }
0xa8: {  	s28 =	simm.s32 $_size_execute0_lowered;
	s4 =	sadd.s32 s4, s6;
	[dreg:$0x0] =	wrdreg $0x0  }
0xa9: {  	s6 =	sshll.u32 s28, $0x1;
	[dreg:$0x2] =	wrdreg s4  }
0xaa: {  	[dreg:$0x3] =	wrdreg s6  }
0xab: {  	[dreg:$0x4] =	wrdreg $0xC0  }
0xac: {  	_ =	task [dreg:s8], $0x5FFFF  }
0xad: {  	[dreg:$0x1] =	wrdreg $0xFFFFFFFF  }
0xae: {  	[dreg:$0x0] =	wrdreg $0x60  }
0xaf: {  	[dreg:$0x2] =	wrdreg s18  }
0xb0: {  	[dreg:$0x3] =	wrdreg s2  }
0xb1: {  	[dreg:$0x4] =	wrdreg s24  }
0xb2: {  	[dreg:$0x5] =	wrdreg $0x9  }
0xb3: {  	_ =	task.clear_ibuf [dreg:s8], $0x6FFFF;
	_ =	strace $0x90000046  }
0xb4: {  	s29 =	simm.s32 $0x9;
	_ =	strace $0x80000048  }
0xb5: {  	_ =	swait.ge [sflag:s29], $0x1  }
0xb6: {  	[sflag:s29] =	ssyncadd.s32 $0xFFFFFFFF  }
0xb7: {  	_ =	strace $0x90000048  }
0xb8: {  	_ =	sfence  }
0xb9: {  	s30 =	sld [smem:$0x0];
	_ =	sdelay $0x2  }
0xba: {  	s31 =	sshll.u32 s1, $0xD;
	s1 =	sshrl.u32 s1, $0x2  }
0xbb: {  	s3 =	sand.u32 $0x4000, s31;
	s1 =	sadd.s32 s1, s30  }
0xbc: {  	s0 =	sor.u32 s3, s0;
	s1 =	sshll.u32 s1, $0x11  }
0xbd: {  	s0 =	sor.u32 s1, s0  }
0xbe: {  	s0 =	sadd.s32 $0x8F2B, s0  }
0xbf: {  	[sflag:s0] =	ssyncadd.remote.s32 $0x1  }
0xc0: {  	_ =	sfence.sel $0xFFFF  }
0xc1: {  	[dreg:$0x0] =	wrdreg $0xFFFFFFFF;
	(pc) =	sbr.abs _section_cstart, $3  }
0xc2: {  	[dreg:$0x1] =	wrdreg $0xFFFFFFFF  }
0xc3: {  	_ =	task.clear_ibuf [dreg:s8], $0x2FFFF;
	_ =	strace $0x9FFFFFFF  }
0xc4: {  	(tm) =	ssettm $0x7FFFFFFF  }
0xc5: {  	_ =	shalt  }
tec
execute0_lowered:
.L_overlay_start_1:
0x0: {  	(tag) =	ssettag $0x1  }
0x1: {  	s1 =	rddreg [dreg:$0x0]  }
0x2: {  	s0 =	rddreg [dreg:$0x1];
	s3 =	srdreg.scid  }
0x3: {  	s4 =	rddreg [dreg:$0x2];
	s5 =	sand.u32 $0x1, s3;
	s3 =	simm.s32 $0x0  }
0x4: {  	s2 =	stileid.u32;
	s17 =	simm.s32 $0x80;
	[smem:$0x7FF] =	sst s3  }
0x5: {  	s18 =	simm.s32 $0x100;
	_ =	strace $0x80000047;
	[dreg:$0xc] =	wrdreg s17  }
0x6: {  	s19 =	simm.s32 $0x180;
	s20 =	simm.s32 $0x8A00;
	[dreg:$0xd] =	wrdreg s18  }
0x7: {  	s21 =	simm.s32 $0x9200;
	s22 =	simm.s32 $0x9A00;
	[dreg:$0xe] =	wrdreg s19  }
0x8: {  	s23 =	simm.s32 $0xA200;
	s24 =	simm.s32 $0xAA00;
	[dreg:$0xf] =	wrdreg s20  }
0x9: {  	s28 =	simm.s32 $0x4;
	s29 =	simm.s32 $0x2;
	[dreg:$0x10] =	wrdreg s21  }
0xa: {  	s30 =	simm.s32 $0x3;
	s31 =	simm.s32 $0x5;
	[dreg:$0x11] =	wrdreg s22  }
0xb: {  	s6 =	sshll.u32 s2, $0xA;
	s7 =	sshll.u32 s5, $0x9;
	[dreg:$0x12] =	wrdreg s23  }
0xc: {  	s4 =	sadd.s32 $0x800, s4;
	s6 =	sor.u32 s7, s6;
	[dreg:$0x13] =	wrdreg s24  }
0xd: {  	s17 =	simm.s32 $0x12200;
	s18 =	simm.s32 $0x12A00;
	s19 =	simm.s32 $0x13200  }
0xe: {  	s20 =	simm.s32 $0x13A00;
	s21 =	simm.s32 $0x14200;
	[smem:$0x7F4] =	sst s17  }
0xf: {  	s22 =	simm.s32 $0x14A00;
	s23 =	simm.s32 $0x15200;
	[smem:$0x7F5] =	sst s18  }
0x10: {  	s24 =	simm.s32 $0x15A00;
	s7 =	sshrl.u32 s6, $0x3;
	[smem:$0x7F6] =	sst s19  }
0x11: {  	s8 =	sor.u32 $0x80, s6;
	s9 =	sor.u32 $0x100, s6;
	[smem:$0x7F7] =	sst s20  }
0x12: {  	s11 =	sor.u32 $0x180, s6;
	s6 =	sshll.u32 s6, $0x5;
	[smem:$0x7F8] =	sst s21  }
0x13: {  	s17 =	simm.s32 $0x5A00;
	s18 =	simm.s32 $0x6200;
	[smem:$0x7F9] =	sst s22  }
0x14: {  	s19 =	simm.s32 $0x6A00;
	s20 =	simm.s32 $0x7200;
	[smem:$0x7FA] =	sst s23  }
0x15: {  	s21 =	simm.s32 $0x7A00;
	[smem:$0x7FB] =	sst s24;
	s7 =	sadd.s32 s0, s7  }
0x16: {  	s25 =	sshrl.u32 s8, $0x3;
	s10 =	sshrl.u32 s9, $0x3;
	s2 =	sshrl.u32 s11, $0x3  }
0x17: {  	s13 =	sshll.u32 s9, $0x5;
	s9 =	simm.s32 $0xDA00;
	[dreg:$0x4] =	wrdreg s7  }
0x18: {  	s15 =	sshll.u32 s11, $0x5;
	s11 =	simm.s32 $0xEA00;
	[dreg:$0x19] =	wrdreg s9  }
0x19: {  	s22 =	simm.s32 $0x8200;
	s7 =	sadd.s32 s0, s25;
	[dreg:$0x1b] =	wrdreg s11  }
0x1a: {  	s23 =	simm.s32 $0x10200;
	s26 =	sadd.s32 s0, s10;
	[dreg:$0x5] =	wrdreg s7  }
0x1b: {  	s0 =	sadd.s32 s0, s2;
	s10 =	sshll.u32 s8, $0x5;
	[dreg:$0x6] =	wrdreg s26  }
0x1c: {  	s14 =	sadd.s32 s4, s13;
	s16 =	sadd.s32 s4, s15;
	[dreg:$0x7] =	wrdreg s0  }
0x1d: {  	s25 =	ssub.s32 $0x2, s5;
	s2 =	simm.s32 $0xBA00;
	[dreg:$0xa] =	wrdreg s14  }
0x1e: {  	s8 =	simm.s32 $0xD200;
	s9 =	simm.s32 $0x1A00;
	[dreg:$0xb] =	wrdreg s16  }
0x1f: {  	s13 =	simm.s32 $0xFA00;
	s11 =	simm.s32 $0x2A00;
	[dreg:$0x15] =	wrdreg s2  }
0x20: {  	s15 =	simm.s32 $0x11200;
	s7 =	sadd.s32 s4, s6;
	[dreg:$0x18] =	wrdreg s8  }
0x21: {  	s12 =	sadd.s32 s4, s10;
	s26 =	simm.s32 $0xB200;
	[dreg:$0x1d] =	wrdreg s13  }
0x22: {  	s5 =	sshrl.u32 s25, $0x1;
	s6 =	simm.s32 $0xC200;
	[dreg:$0x1f] =	wrdreg s15  }
0x23: {  	s10 =	simm.s32 $0xE200;
	s8 =	simm.s32 $0x1200;
	[dreg:$0x8] =	wrdreg s7  }
0x24: {  	s14 =	simm.s32 $0x10A00;
	s13 =	simm.s32 $0x3A00;
	[dreg:$0x9] =	wrdreg s12  }
0x25: {  	s16 =	simm.s32 $0x11A00;
	s15 =	simm.s32 $0x4A00;
	[dreg:$0x14] =	wrdreg s26  }
0x26: {  	s0 =	simm.s32 $0x6;
	s4 =	ssub.s32 s25, s5;
	[dreg:$0x16] =	wrdreg s6  }
0x27: {  	s7 =	simm.s32 $0xCA00;
	s5 =	simm.s32 $0x7;
	[dreg:$0x1a] =	wrdreg s10  }
0x28: {  	s6 =	simm.s32 $0x200;
	s12 =	simm.s32 $0xF200;
	[dreg:$0x1e] =	wrdreg s14  }
0x29: {  	s10 =	simm.s32 $0x2200;
	s14 =	simm.s32 $0x4200;
	[smem:$0x7F3] =	sst s16  }
0x2a: {  	s16 =	simm.s32 $0x5200;
	s25 =	simm.s32 $0x16200;
	[dreg:$0x17] =	wrdreg s7  }
0x2b: {  	v2 =	vlaneseq.u32;
	s26 =	simm.s32 $0x16A00;
	s4 =	smax.u32 s4, $0x1;
	[dreg:$0x1c] =	wrdreg s12  }
0x2c: {  	vm0 =	vmmov $0xffff;
	v1 =	vshrl.u32 v2, $0x3;
	s7 =	simm.s32 $0xA00;
	s12 =	simm.s32 $0x3200;
	[smem:$0x7FC] =	sst s25  }
0x2d: {  	v0 =	vand.u32 $0x7, v2;
	v2 =	vor.u32 $0x8, v2;
	v1 =	vmul.u32 $0x8, v1;
	[smem:$0x7FD] =	sst s26;
	s25 =	simm.s32 $0x17A00;
	s26 =	simm.s32 $0x1  }
.LBB2_1:
0x2e: {  	s2 =	rddreg [dreg:$0x4]  }
0x2f: {  	[tilespmem:s3], [sflag:$0x7] =	stream.linear.gather [hbm4b:s2+s3], $0x80, $0x38;
	[tilespmem:$0x18200] =	vst v63  }
0x30: {  	_ =	swait.ge [sflag:s5], $0x80  }
0x31: {  	s2 =	rddreg [dreg:$0x5];
	[sflag:s5] =	ssyncset.done $0x0  }
0x32: {  	s24 =	rddreg [dreg:$0xc];
	[sflag:s5] =	ssyncadd.s32 $0xFFFFFF80  }
0x33: {  	[tilespmem:s24], [sflag:$0x7] =	stream.linear.gather [hbm4b:s2+s3], $0x80, $0x38;
	[tilespmem:$0x18200] =	vst v63  }
0x34: {  	_ =	swait.ge [sflag:s5], $0x80  }
0x35: {  	s2 =	rddreg [dreg:$0x6];
	[sflag:s5] =	ssyncset.done $0x0  }
0x36: {  	s24 =	rddreg [dreg:$0xd];
	[sflag:s5] =	ssyncadd.s32 $0xFFFFFF80  }
0x37: {  	[tilespmem:s24], [sflag:$0x7] =	stream.linear.gather [hbm4b:s2+s3], $0x80, $0x38;
	[tilespmem:$0x18200] =	vst v63  }
0x38: {  	_ =	swait.ge [sflag:s5], $0x80  }
0x39: {  	s2 =	rddreg [dreg:$0x7];
	[sflag:s5] =	ssyncset.done $0x0  }
0x3a: {  	s24 =	rddreg [dreg:$0xe];
	[sflag:s5] =	ssyncadd.s32 $0xFFFFFF80  }
0x3b: {  	[tilespmem:s24], [sflag:$0x7] =	stream.linear.gather [hbm4b:s2+s3], $0x80, $0x38;
	[tilespmem:$0x18200] =	vst v63  }
0x3c: {  	_ =	swait.ge [sflag:s5], $0x80  }
0x3d: {  	[sflag:s5] =	ssyncset.done $0x0  }
0x3e: {  	[sflag:s5] =	ssyncadd.s32 $0xFFFFFF80  }
0x3f: {  	v3 =	vld [tilespmem:$0x0];
	_ =	sdelay $0x4  }
0x40: {  	v4 =	vshll.u32 v3, $0x1  }
0x41: {  	v3 =	vand.u32 $0x7, v3;
	v4 =	vand.u32 $0xFFFFFFF0, v4  }
0x42: {  	v3 =	vor.u32 v3, v4  }
0x43: {  	v4 =	vperm.xlane v3, v0;
	_ =	sdelay $0x1  }
0x44: {  	v3 =	vperm.xlane v3, v2;
	v4 =	vadd.s32 v1, v4;
	_ =	sdelay $0x1  }
0x45: {  	v3 =	vadd.s32 v1, v3;
	_ =	sdelay $0x2  }
0x46: {  	[tilespmem:s6], [sflag:$0x1] =	stream.indirect_vreg.gather [hbm4b:s1+s3], $0x80, v4, vm0, $0xb8;
	[tilespmem:$0x18200] =	vst v63  }
0x47: {  	_ = 	snop  }
0x48: {  	[tilespmem:s7], [sflag:$0x1] =	stream.indirect_vreg.gather [hbm4b:s1+s3], $0x80, v3, vm0, $0xb8;
	[tilespmem:$0x18200] =	vst v63  }
0x49: {  	v3 =	vld [tilespmem:$0x10];
	_ =	sdelay $0x4  }
0x4a: {  	v33 =	vshll.u32 v3, $0x1  }
0x4b: {  	v3 =	vand.u32 $0x7, v3;
	v4 =	vand.u32 $0xFFFFFFF0, v33  }
0x4c: {  	v3 =	vor.u32 v3, v4  }
0x4d: {  	v4 =	vperm.xlane v3, v0;
	_ =	sdelay $0x1  }
0x4e: {  	v3 =	vperm.xlane v3, v2;
	v4 =	vadd.s32 v1, v4;
	_ =	sdelay $0x1  }
0x4f: {  	v3 =	vadd.s32 v1, v3;
	_ =	sdelay $0x2  }
0x50: {  	[tilespmem:s8], [sflag:$0x1] =	stream.indirect_vreg.gather [hbm4b:s1+s3], $0x80, v4, vm0, $0xb8;
	[tilespmem:$0x18200] =	vst v63  }
0x51: {  	_ = 	snop  }
0x52: {  	[tilespmem:s9], [sflag:$0x1] =	stream.indirect_vreg.gather [hbm4b:s1+s3], $0x80, v3, vm0, $0xb8;
	[tilespmem:$0x18200] =	vst v63  }
0x53: {  	v3 =	vld [tilespmem:$0x20];
	_ =	sdelay $0x4  }
0x54: {  	v34 =	vshll.u32 v3, $0x1  }
0x55: {  	v3 =	vand.u32 $0x7, v3;
	v4 =	vand.u32 $0xFFFFFFF0, v34  }
0x56: {  	v3 =	vor.u32 v3, v4  }
0x57: {  	v4 =	vperm.xlane v3, v0;
	_ =	sdelay $0x1  }
0x58: {  	v3 =	vperm.xlane v3, v2;
	v4 =	vadd.s32 v1, v4;
	_ =	sdelay $0x1  }
0x59: {  	v3 =	vadd.s32 v1, v3;
	_ =	sdelay $0x2  }
0x5a: {  	[tilespmem:s10], [sflag:$0x1] =	stream.indirect_vreg.gather [hbm4b:s1+s3], $0x80, v4, vm0, $0xb8;
	[tilespmem:$0x18200] =	vst v63  }
0x5b: {  	_ = 	snop  }
0x5c: {  	[tilespmem:s11], [sflag:$0x1] =	stream.indirect_vreg.gather [hbm4b:s1+s3], $0x80, v3, vm0, $0xb8;
	[tilespmem:$0x18200] =	vst v63  }
0x5d: {  	v3 =	vld [tilespmem:$0x30];
	_ =	sdelay $0x4  }
0x5e: {  	v35 =	vshll.u32 v3, $0x1  }
0x5f: {  	v3 =	vand.u32 $0x7, v3;
	v4 =	vand.u32 $0xFFFFFFF0, v35  }
0x60: {  	v3 =	vor.u32 v3, v4  }
0x61: {  	v4 =	vperm.xlane v3, v0;
	_ =	sdelay $0x1  }
0x62: {  	v3 =	vperm.xlane v3, v2;
	v4 =	vadd.s32 v1, v4;
	_ =	sdelay $0x1  }
0x63: {  	v3 =	vadd.s32 v1, v3;
	_ =	sdelay $0x2  }
0x64: {  	[tilespmem:s12], [sflag:$0x1] =	stream.indirect_vreg.gather [hbm4b:s1+s3], $0x80, v4, vm0, $0xb8;
	[tilespmem:$0x18200] =	vst v63  }
0x65: {  	_ = 	snop  }
0x66: {  	[tilespmem:s13], [sflag:$0x1] =	stream.indirect_vreg.gather [hbm4b:s1+s3], $0x80, v3, vm0, $0xb8;
	[tilespmem:$0x18200] =	vst v63  }
0x67: {  	v3 =	vld [tilespmem:$0x40];
	_ =	sdelay $0x4  }
0x68: {  	v36 =	vshll.u32 v3, $0x1  }
0x69: {  	v3 =	vand.u32 $0x7, v3;
	v4 =	vand.u32 $0xFFFFFFF0, v36  }
0x6a: {  	v3 =	vor.u32 v3, v4  }
0x6b: {  	v4 =	vperm.xlane v3, v0;
	_ =	sdelay $0x1  }
0x6c: {  	v3 =	vperm.xlane v3, v2;
	v4 =	vadd.s32 v1, v4;
	_ =	sdelay $0x1  }
0x6d: {  	v3 =	vadd.s32 v1, v3;
	_ =	sdelay $0x2  }
0x6e: {  	[tilespmem:s14], [sflag:$0x1] =	stream.indirect_vreg.gather [hbm4b:s1+s3], $0x80, v4, vm0, $0xb8;
	[tilespmem:$0x18200] =	vst v63  }
0x6f: {  	_ = 	snop  }
0x70: {  	[tilespmem:s15], [sflag:$0x1] =	stream.indirect_vreg.gather [hbm4b:s1+s3], $0x80, v3, vm0, $0xb8;
	[tilespmem:$0x18200] =	vst v63  }
0x71: {  	v3 =	vld [tilespmem:$0x50];
	_ =	sdelay $0x4  }
0x72: {  	v37 =	vshll.u32 v3, $0x1  }
0x73: {  	v3 =	vand.u32 $0x7, v3;
	v4 =	vand.u32 $0xFFFFFFF0, v37  }
0x74: {  	v3 =	vor.u32 v3, v4  }
0x75: {  	v4 =	vperm.xlane v3, v0;
	_ =	sdelay $0x1  }
0x76: {  	v3 =	vperm.xlane v3, v2;
	v4 =	vadd.s32 v1, v4;
	_ =	sdelay $0x1  }
0x77: {  	v3 =	vadd.s32 v1, v3;
	_ =	sdelay $0x2  }
0x78: {  	[tilespmem:s16], [sflag:$0x1] =	stream.indirect_vreg.gather [hbm4b:s1+s3], $0x80, v4, vm0, $0xb8;
	[tilespmem:$0x18200] =	vst v63  }
0x79: {  	_ = 	snop  }
0x7a: {  	[tilespmem:s17], [sflag:$0x1] =	stream.indirect_vreg.gather [hbm4b:s1+s3], $0x80, v3, vm0, $0xb8;
	[tilespmem:$0x18200] =	vst v63  }
0x7b: {  	v3 =	vld [tilespmem:$0x60];
	_ =	sdelay $0x4  }
0x7c: {  	v38 =	vshll.u32 v3, $0x1  }
0x7d: {  	v3 =	vand.u32 $0x7, v3;
	v4 =	vand.u32 $0xFFFFFFF0, v38  }
0x7e: {  	v3 =	vor.u32 v3, v4  }
0x7f: {  	v4 =	vperm.xlane v3, v0;
	_ =	sdelay $0x1  }
0x80: {  	v3 =	vperm.xlane v3, v2;
	v4 =	vadd.s32 v1, v4;
	_ =	sdelay $0x1  }
0x81: {  	v3 =	vadd.s32 v1, v3;
	_ =	sdelay $0x2  }
0x82: {  	[tilespmem:s18], [sflag:$0x1] =	stream.indirect_vreg.gather [hbm4b:s1+s3], $0x80, v4, vm0, $0xb8;
	[tilespmem:$0x18200] =	vst v63  }
0x83: {  	_ = 	snop  }
0x84: {  	[tilespmem:s19], [sflag:$0x1] =	stream.indirect_vreg.gather [hbm4b:s1+s3], $0x80, v3, vm0, $0xb8;
	[tilespmem:$0x18200] =	vst v63  }
0x85: {  	v3 =	vld [tilespmem:$0x70];
	_ =	sdelay $0x4  }
0x86: {  	v39 =	vshll.u32 v3, $0x1  }
0x87: {  	v3 =	vand.u32 $0x7, v3;
	v4 =	vand.u32 $0xFFFFFFF0, v39  }
0x88: {  	v3 =	vor.u32 v3, v4  }
0x89: {  	v4 =	vperm.xlane v3, v0;
	_ =	sdelay $0x1  }
0x8a: {  	v3 =	vperm.xlane v3, v2;
	v4 =	vadd.s32 v1, v4;
	_ =	sdelay $0x1  }
0x8b: {  	v3 =	vadd.s32 v1, v3;
	_ =	sdelay $0x2  }
0x8c: {  	[tilespmem:s20], [sflag:$0x1] =	stream.indirect_vreg.gather [hbm4b:s1+s3], $0x80, v4, vm0, $0xb8;
	[tilespmem:$0x18200] =	vst v63  }
0x8d: {  	_ = 	snop  }
0x8e: {  	[tilespmem:s21], [sflag:$0x1] =	stream.indirect_vreg.gather [hbm4b:s1+s3], $0x80, v3, vm0, $0xb8;
	[tilespmem:$0x18200] =	vst v63  }
0x8f: {  	v3 =	vld [tilespmem:$0x80];
	_ =	sdelay $0x4  }
0x90: {  	v40 =	vshll.u32 v3, $0x1  }
0x91: {  	v3 =	vand.u32 $0x7, v3;
	v4 =	vand.u32 $0xFFFFFFF0, v40  }
0x92: {  	v3 =	vor.u32 v3, v4  }
0x93: {  	v4 =	vperm.xlane v3, v0;
	_ =	sdelay $0x1  }
0x94: {  	v3 =	vperm.xlane v3, v2;
	v4 =	vadd.s32 v1, v4;
	_ =	sdelay $0x1  }
0x95: {  	v3 =	vadd.s32 v1, v3;
	_ =	sdelay $0x2  }
0x96: {  	[tilespmem:s22], [sflag:$0x2] =	stream.indirect_vreg.gather [hbm4b:s1+s3], $0x80, v4, vm0, $0xb8;
	[tilespmem:$0x18200] =	vst v63  }
0x97: {  	s24 =	rddreg [dreg:$0xf]  }
0x98: {  	[tilespmem:s24], [sflag:$0x2] =	stream.indirect_vreg.gather [hbm4b:s1+s3], $0x80, v3, vm0, $0xb8;
	[tilespmem:$0x18200] =	vst v63  }
0x99: {  	v3 =	vld [tilespmem:$0x90];
	_ =	sdelay $0x4  }
0x9a: {  	v41 =	vshll.u32 v3, $0x1  }
0x9b: {  	v3 =	vand.u32 $0x7, v3;
	v4 =	vand.u32 $0xFFFFFFF0, v41  }
0x9c: {  	v3 =	vor.u32 v3, v4  }
0x9d: {  	v4 =	vperm.xlane v3, v0;
	_ =	sdelay $0x1  }
0x9e: {  	v3 =	vperm.xlane v3, v2;
	v4 =	vadd.s32 v1, v4;
	_ =	sdelay $0x1  }
0x9f: {  	v3 =	vadd.s32 v1, v3;
	_ =	sdelay $0x1  }
0xa0: {  	s2 =	rddreg [dreg:$0x10]  }
0xa1: {  	[tilespmem:s2], [sflag:$0x2] =	stream.indirect_vreg.gather [hbm4b:s1+s3], $0x80, v4, vm0, $0xb8;
	[tilespmem:$0x18200] =	vst v63  }
0xa2: {  	s24 =	rddreg [dreg:$0x11]  }
0xa3: {  	[tilespmem:s24], [sflag:$0x2] =	stream.indirect_vreg.gather [hbm4b:s1+s3], $0x80, v3, vm0, $0xb8;
	[tilespmem:$0x18200] =	vst v63  }
0xa4: {  	v3 =	vld [tilespmem:$0xA0];
	_ =	sdelay $0x4  }
0xa5: {  	v42 =	vshll.u32 v3, $0x1  }
0xa6: {  	v3 =	vand.u32 $0x7, v3;
	v4 =	vand.u32 $0xFFFFFFF0, v42  }
0xa7: {  	v3 =	vor.u32 v3, v4  }
0xa8: {  	v4 =	vperm.xlane v3, v0;
	_ =	sdelay $0x1  }
0xa9: {  	v3 =	vperm.xlane v3, v2;
	v4 =	vadd.s32 v1, v4;
	_ =	sdelay $0x1  }
0xaa: {  	v3 =	vadd.s32 v1, v3;
	_ =	sdelay $0x1  }
0xab: {  	s2 =	rddreg [dreg:$0x12]  }
0xac: {  	[tilespmem:s2], [sflag:$0x2] =	stream.indirect_vreg.gather [hbm4b:s1+s3], $0x80, v4, vm0, $0xb8;
	[tilespmem:$0x18200] =	vst v63  }
0xad: {  	s24 =	rddreg [dreg:$0x13]  }
0xae: {  	[tilespmem:s24], [sflag:$0x2] =	stream.indirect_vreg.gather [hbm4b:s1+s3], $0x80, v3, vm0, $0xb8;
	[tilespmem:$0x18200] =	vst v63  }
0xaf: {  	v3 =	vld [tilespmem:$0xB0];
	_ =	sdelay $0x4  }
0xb0: {  	v43 =	vshll.u32 v3, $0x1  }
0xb1: {  	v3 =	vand.u32 $0x7, v3;
	v4 =	vand.u32 $0xFFFFFFF0, v43  }
0xb2: {  	v3 =	vor.u32 v3, v4  }
0xb3: {  	v4 =	vperm.xlane v3, v0;
	_ =	sdelay $0x1  }
0xb4: {  	v3 =	vperm.xlane v3, v2;
	v4 =	vadd.s32 v1, v4;
	_ =	sdelay $0x1  }
0xb5: {  	v3 =	vadd.s32 v1, v3;
	_ =	sdelay $0x1  }
0xb6: {  	s2 =	rddreg [dreg:$0x14]  }
0xb7: {  	[tilespmem:s2], [sflag:$0x2] =	stream.indirect_vreg.gather [hbm4b:s1+s3], $0x80, v4, vm0, $0xb8;
	[tilespmem:$0x18200] =	vst v63  }
0xb8: {  	s24 =	rddreg [dreg:$0x15]  }
0xb9: {  	[tilespmem:s24], [sflag:$0x2] =	stream.indirect_vreg.gather [hbm4b:s1+s3], $0x80, v3, vm0, $0xb8;
	[tilespmem:$0x18200] =	vst v63  }
0xba: {  	v3 =	vld [tilespmem:$0xC0];
	_ =	sdelay $0x4  }
0xbb: {  	v44 =	vshll.u32 v3, $0x1  }
0xbc: {  	v3 =	vand.u32 $0x7, v3;
	v4 =	vand.u32 $0xFFFFFFF0, v44  }
0xbd: {  	v3 =	vor.u32 v3, v4  }
0xbe: {  	v4 =	vperm.xlane v3, v0;
	_ =	sdelay $0x1  }
0xbf: {  	v3 =	vperm.xlane v3, v2;
	v4 =	vadd.s32 v1, v4;
	_ =	sdelay $0x1  }
0xc0: {  	v3 =	vadd.s32 v1, v3;
	_ =	sdelay $0x1  }
0xc1: {  	s2 =	rddreg [dreg:$0x16]  }
0xc2: {  	[tilespmem:s2], [sflag:$0x2] =	stream.indirect_vreg.gather [hbm4b:s1+s3], $0x80, v4, vm0, $0xb8;
	[tilespmem:$0x18200] =	vst v63  }
0xc3: {  	s24 =	rddreg [dreg:$0x17]  }
0xc4: {  	[tilespmem:s24], [sflag:$0x2] =	stream.indirect_vreg.gather [hbm4b:s1+s3], $0x80, v3, vm0, $0xb8;
	[tilespmem:$0x18200] =	vst v63  }
0xc5: {  	v3 =	vld [tilespmem:$0xD0];
	_ =	sdelay $0x4  }
0xc6: {  	v45 =	vshll.u32 v3, $0x1  }
0xc7: {  	v3 =	vand.u32 $0x7, v3;
	v4 =	vand.u32 $0xFFFFFFF0, v45  }
0xc8: {  	v3 =	vor.u32 v3, v4  }
0xc9: {  	v4 =	vperm.xlane v3, v0;
	_ =	sdelay $0x1  }
0xca: {  	v3 =	vperm.xlane v3, v2;
	v4 =	vadd.s32 v1, v4;
	_ =	sdelay $0x1  }
0xcb: {  	v3 =	vadd.s32 v1, v3;
	_ =	sdelay $0x1  }
0xcc: {  	s2 =	rddreg [dreg:$0x18]  }
0xcd: {  	[tilespmem:s2], [sflag:$0x2] =	stream.indirect_vreg.gather [hbm4b:s1+s3], $0x80, v4, vm0, $0xb8;
	[tilespmem:$0x18200] =	vst v63  }
0xce: {  	s24 =	rddreg [dreg:$0x19]  }
0xcf: {  	[tilespmem:s24], [sflag:$0x2] =	stream.indirect_vreg.gather [hbm4b:s1+s3], $0x80, v3, vm0, $0xb8;
	[tilespmem:$0x18200] =	vst v63  }
0xd0: {  	v3 =	vld [tilespmem:$0xE0];
	_ =	sdelay $0x4  }
0xd1: {  	v46 =	vshll.u32 v3, $0x1  }
0xd2: {  	v3 =	vand.u32 $0x7, v3;
	v4 =	vand.u32 $0xFFFFFFF0, v46  }
0xd3: {  	v3 =	vor.u32 v3, v4  }
0xd4: {  	v4 =	vperm.xlane v3, v0;
	_ =	sdelay $0x1  }
0xd5: {  	v3 =	vperm.xlane v3, v2;
	v4 =	vadd.s32 v1, v4;
	_ =	sdelay $0x1  }
0xd6: {  	v3 =	vadd.s32 v1, v3;
	_ =	sdelay $0x1  }
0xd7: {  	s2 =	rddreg [dreg:$0x1a]  }
0xd8: {  	[tilespmem:s2], [sflag:$0x2] =	stream.indirect_vreg.gather [hbm4b:s1+s3], $0x80, v4, vm0, $0xb8;
	[tilespmem:$0x18200] =	vst v63  }
0xd9: {  	s24 =	rddreg [dreg:$0x1b]  }
0xda: {  	[tilespmem:s24], [sflag:$0x2] =	stream.indirect_vreg.gather [hbm4b:s1+s3], $0x80, v3, vm0, $0xb8;
	[tilespmem:$0x18200] =	vst v63  }
0xdb: {  	v3 =	vld [tilespmem:$0xF0];
	_ =	sdelay $0x4  }
0xdc: {  	v47 =	vshll.u32 v3, $0x1  }
0xdd: {  	v3 =	vand.u32 $0x7, v3;
	v4 =	vand.u32 $0xFFFFFFF0, v47  }
0xde: {  	v3 =	vor.u32 v3, v4  }
0xdf: {  	v4 =	vperm.xlane v3, v0;
	_ =	sdelay $0x1  }
0xe0: {  	v3 =	vperm.xlane v3, v2;
	v4 =	vadd.s32 v1, v4;
	_ =	sdelay $0x1  }
0xe1: {  	v3 =	vadd.s32 v1, v3;
	_ =	sdelay $0x1  }
0xe2: {  	s2 =	rddreg [dreg:$0x1c]  }
0xe3: {  	[tilespmem:s2], [sflag:$0x2] =	stream.indirect_vreg.gather [hbm4b:s1+s3], $0x80, v4, vm0, $0xb8;
	[tilespmem:$0x18200] =	vst v63  }
0xe4: {  	s24 =	rddreg [dreg:$0x1d]  }
0xe5: {  	[tilespmem:s24], [sflag:$0x2] =	stream.indirect_vreg.gather [hbm4b:s1+s3], $0x80, v3, vm0, $0xb8;
	[tilespmem:$0x18200] =	vst v63  }
0xe6: {  	v3 =	vld [tilespmem:$0x100];
	_ =	sdelay $0x4  }
0xe7: {  	v48 =	vshll.u32 v3, $0x1  }
0xe8: {  	v3 =	vand.u32 $0x7, v3;
	v4 =	vand.u32 $0xFFFFFFF0, v48  }
0xe9: {  	v3 =	vor.u32 v3, v4  }
0xea: {  	v4 =	vperm.xlane v3, v0;
	_ =	sdelay $0x1  }
0xeb: {  	v3 =	vperm.xlane v3, v2;
	v4 =	vadd.s32 v1, v4;
	_ =	sdelay $0x1  }
0xec: {  	v3 =	vadd.s32 v1, v3;
	_ =	sdelay $0x2  }
0xed: {  	[tilespmem:s23], [sflag:$0x3] =	stream.indirect_vreg.gather [hbm4b:s1+s3], $0x80, v4, vm0, $0xb8;
	[tilespmem:$0x18200] =	vst v63  }
0xee: {  	s24 =	rddreg [dreg:$0x1e]  }
0xef: {  	[tilespmem:s24], [sflag:$0x3] =	stream.indirect_vreg.gather [hbm4b:s1+s3], $0x80, v3, vm0, $0xb8;
	[tilespmem:$0x18200] =	vst v63  }
0xf0: {  	v3 =	vld [tilespmem:$0x110];
	_ =	sdelay $0x4  }
0xf1: {  	v49 =	vshll.u32 v3, $0x1  }
0xf2: {  	v3 =	vand.u32 $0x7, v3;
	v4 =	vand.u32 $0xFFFFFFF0, v49  }
0xf3: {  	v3 =	vor.u32 v3, v4  }
0xf4: {  	v4 =	vperm.xlane v3, v0;
	_ =	sdelay $0x1  }
0xf5: {  	v3 =	vperm.xlane v3, v2;
	v4 =	vadd.s32 v1, v4;
	_ =	sdelay $0x1  }
0xf6: {  	v3 =	vadd.s32 v1, v3  }
0xf7: {  	s2 =	rddreg [dreg:$0x1f]  }
0xf8: {  	s24 =	sld [smem:$0x7F3]  }
0xf9: {  	[tilespmem:s2], [sflag:$0x3] =	stream.indirect_vreg.gather [hbm4b:s1+s3], $0x80, v4, vm0, $0xb8;
	[tilespmem:$0x18200] =	vst v63  }
0xfa: {  	_ = 	snop  }
0xfb: {  	[tilespmem:s24], [sflag:$0x3] =	stream.indirect_vreg.gather [hbm4b:s1+s3], $0x80, v3, vm0, $0xb8;
	[tilespmem:$0x18200] =	vst v63  }
0xfc: {  	v3 =	vld [tilespmem:$0x120];
	_ =	sdelay $0x4  }
0xfd: {  	v50 =	vshll.u32 v3, $0x1  }
0xfe: {  	v3 =	vand.u32 $0x7, v3;
	v4 =	vand.u32 $0xFFFFFFF0, v50  }
0xff: {  	v3 =	vor.u32 v3, v4  }
0x100: {  	v4 =	vperm.xlane v3, v0;
	_ =	sdelay $0x1  }
0x101: {  	v3 =	vperm.xlane v3, v2;
	v4 =	vadd.s32 v1, v4;
	_ =	sdelay $0x1  }
0x102: {  	s2 =	sld [smem:$0x7F4];
	v3 =	vadd.s32 v1, v3;
	_ =	sdelay $0x1  }
0x103: {  	s24 =	sld [smem:$0x7F5]  }
0x104: {  	[tilespmem:s2], [sflag:$0x3] =	stream.indirect_vreg.gather [hbm4b:s1+s3], $0x80, v4, vm0, $0xb8;
	[tilespmem:$0x18200] =	vst v63  }
0x105: {  	_ = 	snop  }
0x106: {  	[tilespmem:s24], [sflag:$0x3] =	stream.indirect_vreg.gather [hbm4b:s1+s3], $0x80, v3, vm0, $0xb8;
	[tilespmem:$0x18200] =	vst v63  }
0x107: {  	v3 =	vld [tilespmem:$0x130];
	_ =	sdelay $0x4  }
0x108: {  	v51 =	vshll.u32 v3, $0x1  }
0x109: {  	v3 =	vand.u32 $0x7, v3;
	v4 =	vand.u32 $0xFFFFFFF0, v51  }
0x10a: {  	v3 =	vor.u32 v3, v4  }
0x10b: {  	v4 =	vperm.xlane v3, v0;
	_ =	sdelay $0x1  }
0x10c: {  	v3 =	vperm.xlane v3, v2;
	v4 =	vadd.s32 v1, v4;
	_ =	sdelay $0x1  }
0x10d: {  	s2 =	sld [smem:$0x7F6];
	v3 =	vadd.s32 v1, v3;
	_ =	sdelay $0x1  }
0x10e: {  	s24 =	sld [smem:$0x7F7]  }
0x10f: {  	[tilespmem:s2], [sflag:$0x3] =	stream.indirect_vreg.gather [hbm4b:s1+s3], $0x80, v4, vm0, $0xb8;
	[tilespmem:$0x18200] =	vst v63  }
0x110: {  	_ = 	snop  }
0x111: {  	[tilespmem:s24], [sflag:$0x3] =	stream.indirect_vreg.gather [hbm4b:s1+s3], $0x80, v3, vm0, $0xb8;
	[tilespmem:$0x18200] =	vst v63  }
0x112: {  	v3 =	vld [tilespmem:$0x140];
	_ =	sdelay $0x4  }
0x113: {  	v52 =	vshll.u32 v3, $0x1  }
0x114: {  	v3 =	vand.u32 $0x7, v3;
	v4 =	vand.u32 $0xFFFFFFF0, v52  }
0x115: {  	v3 =	vor.u32 v3, v4  }
0x116: {  	v4 =	vperm.xlane v3, v0;
	_ =	sdelay $0x1  }
0x117: {  	v3 =	vperm.xlane v3, v2;
	v4 =	vadd.s32 v1, v4;
	_ =	sdelay $0x1  }
0x118: {  	s2 =	sld [smem:$0x7F8];
	v3 =	vadd.s32 v1, v3;
	_ =	sdelay $0x1  }
0x119: {  	s24 =	sld [smem:$0x7F9]  }
0x11a: {  	[tilespmem:s2], [sflag:$0x3] =	stream.indirect_vreg.gather [hbm4b:s1+s3], $0x80, v4, vm0, $0xb8;
	[tilespmem:$0x18200] =	vst v63  }
0x11b: {  	_ = 	snop  }
0x11c: {  	[tilespmem:s24], [sflag:$0x3] =	stream.indirect_vreg.gather [hbm4b:s1+s3], $0x80, v3, vm0, $0xb8;
	[tilespmem:$0x18200] =	vst v63  }
0x11d: {  	v3 =	vld [tilespmem:$0x150];
	_ =	sdelay $0x4  }
0x11e: {  	v53 =	vshll.u32 v3, $0x1  }
0x11f: {  	v3 =	vand.u32 $0x7, v3;
	v4 =	vand.u32 $0xFFFFFFF0, v53  }
0x120: {  	v3 =	vor.u32 v3, v4  }
0x121: {  	v4 =	vperm.xlane v3, v0;
	_ =	sdelay $0x1  }
0x122: {  	v3 =	vperm.xlane v3, v2;
	v4 =	vadd.s32 v1, v4;
	_ =	sdelay $0x1  }
0x123: {  	s2 =	sld [smem:$0x7FA];
	v3 =	vadd.s32 v1, v3;
	_ =	sdelay $0x1  }
0x124: {  	s24 =	sld [smem:$0x7FB]  }
0x125: {  	[tilespmem:s2], [sflag:$0x3] =	stream.indirect_vreg.gather [hbm4b:s1+s3], $0x80, v4, vm0, $0xb8;
	[tilespmem:$0x18200] =	vst v63  }
0x126: {  	_ = 	snop  }
0x127: {  	[tilespmem:s24], [sflag:$0x3] =	stream.indirect_vreg.gather [hbm4b:s1+s3], $0x80, v3, vm0, $0xb8;
	[tilespmem:$0x18200] =	vst v63  }
0x128: {  	v3 =	vld [tilespmem:$0x160];
	_ =	sdelay $0x4  }
0x129: {  	v54 =	vshll.u32 v3, $0x1  }
0x12a: {  	v3 =	vand.u32 $0x7, v3;
	v4 =	vand.u32 $0xFFFFFFF0, v54  }
0x12b: {  	v3 =	vor.u32 v3, v4  }
0x12c: {  	v4 =	vperm.xlane v3, v0;
	_ =	sdelay $0x1  }
0x12d: {  	v3 =	vperm.xlane v3, v2;
	v4 =	vadd.s32 v1, v4;
	_ =	sdelay $0x1  }
0x12e: {  	s2 =	sld [smem:$0x7FC];
	v3 =	vadd.s32 v1, v3;
	_ =	sdelay $0x1  }
0x12f: {  	s24 =	sld [smem:$0x7FD]  }
0x130: {  	[tilespmem:s2], [sflag:$0x3] =	stream.indirect_vreg.gather [hbm4b:s1+s3], $0x80, v4, vm0, $0xb8;
	[tilespmem:$0x18200] =	vst v63  }
0x131: {  	_ = 	snop  }
0x132: {  	[tilespmem:s24], [sflag:$0x3] =	stream.indirect_vreg.gather [hbm4b:s1+s3], $0x80, v3, vm0, $0xb8;
	[tilespmem:$0x18200] =	vst v63  }
0x133: {  	v3 =	vld [tilespmem:$0x170];
	_ =	sdelay $0x4  }
0x134: {  	v55 =	vshll.u32 v3, $0x1  }
0x135: {  	v3 =	vand.u32 $0x7, v3;
	v4 =	vand.u32 $0xFFFFFFF0, v55  }
0x136: {  	v3 =	vor.u32 v3, v4  }
0x137: {  	v4 =	vperm.xlane v3, v0;
	_ =	sdelay $0x1  }
0x138: {  	v3 =	vperm.xlane v3, v2;
	v4 =	vadd.s32 v1, v4;
	_ =	sdelay $0x1  }
0x139: {  	v3 =	vadd.s32 v1, v3;
	_ =	sdelay $0x1  }
0x13a: {  	s24 =	simm.s32 $0x17200  }
0x13b: {  	[tilespmem:s24], [sflag:$0x3] =	stream.indirect_vreg.gather [hbm4b:s1+s3], $0x80, v4, vm0, $0xb8;
	[tilespmem:$0x18200] =	vst v63  }
0x13c: {  	_ = 	snop  }
0x13d: {  	[tilespmem:s25], [sflag:$0x3] =	stream.indirect_vreg.gather [hbm4b:s1+s3], $0x80, v3, vm0, $0xb8;
	[tilespmem:$0x18200] =	vst v63  }
0x13e: {  	_ =	swait.ge [sflag:s26], $0x8000  }
0x13f: {  	[sflag:s26] =	ssyncset.done $0x0  }
0x140: {  	s24 =	rddreg [dreg:$0x8];
	[sflag:s26] =	ssyncadd.s32 $0xFFFF8000  }
0x141: {  	[hbm4b:s24+s3] =	stream.linear.scatter [tilespmem:s6], [sflag:$0x4], $0x8000, $0x38;
	[tilespmem:$0x18200] =	vst v63  }
0x142: {  	_ =	swait.ge [sflag:s28], $0x8000  }
0x143: {  	[sflag:s28] =	ssyncset.done $0x0  }
0x144: {  	[sflag:s28] =	ssyncadd.s32 $0xFFFF8000  }
0x145: {  	v3 =	vld [tilespmem:$0x180];
	_ =	sdelay $0x4  }
0x146: {  	v56 =	vshll.u32 v3, $0x1  }
0x147: {  	v3 =	vand.u32 $0x7, v3;
	v4 =	vand.u32 $0xFFFFFFF0, v56  }
0x148: {  	v3 =	vor.u32 v3, v4  }
0x149: {  	v4 =	vperm.xlane v3, v0;
	_ =	sdelay $0x1  }
0x14a: {  	v3 =	vperm.xlane v3, v2;
	v4 =	vadd.s32 v1, v4;
	_ =	sdelay $0x1  }
0x14b: {  	v3 =	vadd.s32 v1, v3;
	_ =	sdelay $0x2  }
0x14c: {  	[tilespmem:s6], [sflag:$0x1] =	stream.indirect_vreg.gather [hbm4b:s1+s3], $0x80, v4, vm0, $0xb8;
	[tilespmem:$0x18200] =	vst v63  }
0x14d: {  	_ = 	snop  }
0x14e: {  	[tilespmem:s7], [sflag:$0x1] =	stream.indirect_vreg.gather [hbm4b:s1+s3], $0x80, v3, vm0, $0xb8;
	[tilespmem:$0x18200] =	vst v63  }
0x14f: {  	v3 =	vld [tilespmem:$0x190];
	_ =	sdelay $0x4  }
0x150: {  	v57 =	vshll.u32 v3, $0x1  }
0x151: {  	v3 =	vand.u32 $0x7, v3;
	v4 =	vand.u32 $0xFFFFFFF0, v57  }
0x152: {  	v3 =	vor.u32 v3, v4  }
0x153: {  	v4 =	vperm.xlane v3, v0;
	_ =	sdelay $0x1  }
0x154: {  	v3 =	vperm.xlane v3, v2;
	v4 =	vadd.s32 v1, v4;
	_ =	sdelay $0x1  }
0x155: {  	v3 =	vadd.s32 v1, v3;
	_ =	sdelay $0x2  }
0x156: {  	[tilespmem:s8], [sflag:$0x1] =	stream.indirect_vreg.gather [hbm4b:s1+s3], $0x80, v4, vm0, $0xb8;
	[tilespmem:$0x18200] =	vst v63  }
0x157: {  	_ = 	snop  }
0x158: {  	[tilespmem:s9], [sflag:$0x1] =	stream.indirect_vreg.gather [hbm4b:s1+s3], $0x80, v3, vm0, $0xb8;
	[tilespmem:$0x18200] =	vst v63  }
0x159: {  	v3 =	vld [tilespmem:$0x1A0];
	_ =	sdelay $0x4  }
0x15a: {  	v58 =	vshll.u32 v3, $0x1  }
0x15b: {  	v3 =	vand.u32 $0x7, v3;
	v4 =	vand.u32 $0xFFFFFFF0, v58  }
0x15c: {  	v3 =	vor.u32 v3, v4  }
0x15d: {  	v4 =	vperm.xlane v3, v0;
	_ =	sdelay $0x1  }
0x15e: {  	v3 =	vperm.xlane v3, v2;
	v4 =	vadd.s32 v1, v4;
	_ =	sdelay $0x1  }
0x15f: {  	v3 =	vadd.s32 v1, v3;
	_ =	sdelay $0x2  }
0x160: {  	[tilespmem:s10], [sflag:$0x1] =	stream.indirect_vreg.gather [hbm4b:s1+s3], $0x80, v4, vm0, $0xb8;
	[tilespmem:$0x18200] =	vst v63  }
0x161: {  	_ = 	snop  }
0x162: {  	[tilespmem:s11], [sflag:$0x1] =	stream.indirect_vreg.gather [hbm4b:s1+s3], $0x80, v3, vm0, $0xb8;
	[tilespmem:$0x18200] =	vst v63  }
0x163: {  	v3 =	vld [tilespmem:$0x1B0];
	_ =	sdelay $0x4  }
0x164: {  	v59 =	vshll.u32 v3, $0x1  }
0x165: {  	v3 =	vand.u32 $0x7, v3;
	v4 =	vand.u32 $0xFFFFFFF0, v59  }
0x166: {  	v3 =	vor.u32 v3, v4  }
0x167: {  	v4 =	vperm.xlane v3, v0;
	_ =	sdelay $0x1  }
0x168: {  	v3 =	vperm.xlane v3, v2;
	v4 =	vadd.s32 v1, v4;
	_ =	sdelay $0x1  }
0x169: {  	v3 =	vadd.s32 v1, v3;
	_ =	sdelay $0x2  }
0x16a: {  	[tilespmem:s12], [sflag:$0x1] =	stream.indirect_vreg.gather [hbm4b:s1+s3], $0x80, v4, vm0, $0xb8;
	[tilespmem:$0x18200] =	vst v63  }
0x16b: {  	_ = 	snop  }
0x16c: {  	[tilespmem:s13], [sflag:$0x1] =	stream.indirect_vreg.gather [hbm4b:s1+s3], $0x80, v3, vm0, $0xb8;
	[tilespmem:$0x18200] =	vst v63  }
0x16d: {  	v3 =	vld [tilespmem:$0x1C0];
	_ =	sdelay $0x4  }
0x16e: {  	v60 =	vshll.u32 v3, $0x1  }
0x16f: {  	v3 =	vand.u32 $0x7, v3;
	v4 =	vand.u32 $0xFFFFFFF0, v60  }
0x170: {  	v3 =	vor.u32 v3, v4  }
0x171: {  	v4 =	vperm.xlane v3, v0;
	_ =	sdelay $0x1  }
0x172: {  	v3 =	vperm.xlane v3, v2;
	v4 =	vadd.s32 v1, v4;
	_ =	sdelay $0x1  }
0x173: {  	v3 =	vadd.s32 v1, v3;
	_ =	sdelay $0x2  }
0x174: {  	[tilespmem:s14], [sflag:$0x1] =	stream.indirect_vreg.gather [hbm4b:s1+s3], $0x80, v4, vm0, $0xb8;
	[tilespmem:$0x18200] =	vst v63  }
0x175: {  	_ = 	snop  }
0x176: {  	[tilespmem:s15], [sflag:$0x1] =	stream.indirect_vreg.gather [hbm4b:s1+s3], $0x80, v3, vm0, $0xb8;
	[tilespmem:$0x18200] =	vst v63  }
0x177: {  	v3 =	vld [tilespmem:$0x1D0];
	_ =	sdelay $0x4  }
0x178: {  	v61 =	vshll.u32 v3, $0x1  }
0x179: {  	v3 =	vand.u32 $0x7, v3;
	v4 =	vand.u32 $0xFFFFFFF0, v61  }
0x17a: {  	v3 =	vor.u32 v3, v4  }
0x17b: {  	v4 =	vperm.xlane v3, v0;
	_ =	sdelay $0x1  }
0x17c: {  	v3 =	vperm.xlane v3, v2;
	v4 =	vadd.s32 v1, v4;
	_ =	sdelay $0x1  }
0x17d: {  	v3 =	vadd.s32 v1, v3;
	_ =	sdelay $0x2  }
0x17e: {  	[tilespmem:s16], [sflag:$0x1] =	stream.indirect_vreg.gather [hbm4b:s1+s3], $0x80, v4, vm0, $0xb8;
	[tilespmem:$0x18200] =	vst v63  }
0x17f: {  	_ = 	snop  }
0x180: {  	[tilespmem:s17], [sflag:$0x1] =	stream.indirect_vreg.gather [hbm4b:s1+s3], $0x80, v3, vm0, $0xb8;
	[tilespmem:$0x18200] =	vst v63  }
0x181: {  	v3 =	vld [tilespmem:$0x1E0];
	_ =	sdelay $0x4  }
0x182: {  	v62 =	vshll.u32 v3, $0x1  }
0x183: {  	v3 =	vand.u32 $0x7, v3;
	v4 =	vand.u32 $0xFFFFFFF0, v62  }
0x184: {  	v3 =	vor.u32 v3, v4  }
0x185: {  	v4 =	vperm.xlane v3, v0;
	_ =	sdelay $0x1  }
0x186: {  	v3 =	vperm.xlane v3, v2;
	v4 =	vadd.s32 v1, v4;
	_ =	sdelay $0x1  }
0x187: {  	v3 =	vadd.s32 v1, v3;
	_ =	sdelay $0x2  }
0x188: {  	[tilespmem:s18], [sflag:$0x1] =	stream.indirect_vreg.gather [hbm4b:s1+s3], $0x80, v4, vm0, $0xb8;
	[tilespmem:$0x18200] =	vst v63  }
0x189: {  	_ = 	snop  }
0x18a: {  	[tilespmem:s19], [sflag:$0x1] =	stream.indirect_vreg.gather [hbm4b:s1+s3], $0x80, v3, vm0, $0xb8;
	[tilespmem:$0x18200] =	vst v63  }
0x18b: {  	v3 =	vld [tilespmem:$0x1F0];
	_ =	sdelay $0x4  }
0x18c: {  	v63 =	vshll.u32 v3, $0x1  }
0x18d: {  	v3 =	vand.u32 $0x7, v3;
	v4 =	vand.u32 $0xFFFFFFF0, v63  }
0x18e: {  	v3 =	vor.u32 v3, v4  }
0x18f: {  	v4 =	vperm.xlane v3, v0;
	_ =	sdelay $0x1  }
0x190: {  	v3 =	vperm.xlane v3, v2;
	v4 =	vadd.s32 v1, v4;
	_ =	sdelay $0x1  }
0x191: {  	v3 =	vadd.s32 v1, v3;
	_ =	sdelay $0x2  }
0x192: {  	[tilespmem:s20], [sflag:$0x1] =	stream.indirect_vreg.gather [hbm4b:s1+s3], $0x80, v4, vm0, $0xb8;
	[tilespmem:$0x18200] =	vst v63  }
0x193: {  	_ = 	snop  }
0x194: {  	[tilespmem:s21], [sflag:$0x1] =	stream.indirect_vreg.gather [hbm4b:s1+s3], $0x80, v3, vm0, $0xb8;
	[tilespmem:$0x18200] =	vst v63  }
0x195: {  	_ =	swait.ge [sflag:s29], $0x8000  }
0x196: {  	[sflag:s29] =	ssyncset.done $0x0  }
0x197: {  	s24 =	rddreg [dreg:$0x9];
	[sflag:s29] =	ssyncadd.s32 $0xFFFF8000  }
0x198: {  	[hbm4b:s24+s3] =	stream.linear.scatter [tilespmem:s22], [sflag:$0x5], $0x8000, $0x38;
	[tilespmem:$0x18200] =	vst v63  }
0x199: {  	_ =	swait.ge [sflag:s30], $0x8000  }
0x19a: {  	[sflag:s30] =	ssyncset.done $0x0  }
0x19b: {  	s24 =	rddreg [dreg:$0xa];
	[sflag:s30] =	ssyncadd.s32 $0xFFFF8000  }
0x19c: {  	[hbm4b:s24+s3] =	stream.linear.scatter [tilespmem:s23], [sflag:$0x6], $0x8000, $0x38;
	[tilespmem:$0x18200] =	vst v63  }
0x19d: {  	_ =	swait.ge [sflag:s26], $0x8000  }
0x19e: {  	[sflag:s26] =	ssyncset.done $0x0  }
0x19f: {  	s24 =	rddreg [dreg:$0xb];
	[sflag:s26] =	ssyncadd.s32 $0xFFFF8000  }
0x1a0: {  	[hbm4b:s24+s3] =	stream.linear.scatter [tilespmem:s6], [sflag:$0x4], $0x8000, $0x38;
	[tilespmem:$0x18200] =	vst v63  }
0x1a1: {  	_ =	swait.ge [sflag:s31], $0x8000  }
0x1a2: {  	[sflag:s31] =	ssyncset.done $0x0  }
0x1a3: {  	[sflag:s31] =	ssyncadd.s32 $0xFFFF8000  }
0x1a4: {  	p0 =	sne.s32 s4, $0x1;
	_ =	swait.ge [sflag:s0], $0x8000  }
.Ltmp0:
0x1a5: {  	[sflag:s0] =	ssyncset.done $0x0;
	(pc) =	sbr.rel @p0 .LBB2_1-.Ltmp0, $4  }
0x1a6: {  	[sflag:s0] =	ssyncadd.s32 $0xFFFF8000  }
0x1a7: {  	_ =	swait.ge [sflag:s28], $0x8000  }
0x1a8: {  	[sflag:s28] =	ssyncset.done $0x0  }
0x1a9: {  	s4 =	sadd.s32 $0xFFFFFFFF, s4;
	[sflag:s28] =	ssyncadd.s32 $0xFFFF8000  }
0x1aa: {  	_ =	sfence.sel $0x180000  }
0x1ab: {  	[bflag:$0x0] =	sbarrier.arrive $0xFFFF  }
0x1ac: {  	_ =	strace $0x90000047  }
0x1ad: {  	s0 =	stileid.u32;
	[bflag:$0x2] =	sbarrier.arrive $0xFFFF  }
0x1ae: {  	p0 =	sne.s32 s0, $0x0;
	s0 =	rddreg [dreg:$0x3]  }
0x1af: {  	s0 =	sadd.s32 @!p0 $0x100000, s0  }
0x1b0: {  	[sflag:s0] =	ssyncadd.tile.s32 @!p0 $0x1;
	_ =	shalt  }
.Lfunc_end2:
_tile_overlayer_lowered:
.L_overlay_start_2:
0x1b1: {  	(tag) =	ssettag $0x2  }
0x1b2: {  	s0 =	rddreg [dreg:$0x0];
	s2 =	stileid.u32  }
0x1b3: {  	s1 =	rddreg [dreg:$0x1];
	p0 =	sne.s32 s2, $0x0  }
0x1b4: {  	s3 =	rddreg [dreg:$0x2];
	[bflag:$0x3] =	sbarrier.arrive $0xFFFF;
	s2 =	simm.s32 @!p0 $0x1C07  }
0x1b5: {  	[timem:s3], [sflag:s2] =	dma.local @!p0 [hbm:s0], s1  }
0x1b6: {  	s0 =	simm.s32 @!p0 $0x7  }
0x1b7: {  	_ =	swait.ge @!p0 [sflag:s0], s1  }
0x1b8: {  	s1 =	ssub.s32 @!p0 $0x0, s1;
	[sflag:s0] =	ssyncset.done @!p0 $0x0  }
0x1b9: {  	[sflag:s0] =	ssyncadd.s32 @!p0 s1  }
0x1ba: {  	[bflag:$0x3] =	sbarrier.arrive $0xFFFF  }
0x1bb: {  	_ =	shalt  }

</sc_bundles>
